<compile_context>
chip_gen: v7x
topology: tpu7x:2x2x1
jax: 0.10.2.dev20260603
libtpu: 0.0.44.dev20260713+nightly
codegen_flags: <defaults>
</compile_context>

<pallas_src>
import functools

import jax
import jax.numpy as jnp
from jax import lax
from jax.experimental import pallas as pl
from jax.experimental.pallas import tpu as pltpu
from jax.experimental.pallas import tpu_sc as plsc

BH = BW = 24
BLK = 16
S = 3
NB = BH * BW
FEAT = 8 * 3 * BLK * BLK
ROWS = 8 * 3 * 384 * 24
NC_SC = 2
NS_SC = 16
NW = NC_SC * NS_SC
RPW = ROWS // NW
CHUNK = 128
NCH = RPW // CHUNK


KSUB = 8
KSTEPS = FEAT // (KSUB * 128)


def _tc_cost_body(a_ref, t_ref, idx_ref, g_acc, nt_acc):
    k = pl.program_id(0)

    @pl.when(k == 0)
    def _init():
        g_acc[...] = jnp.zeros_like(g_acc)
        nt_acc[...] = jnp.zeros_like(nt_acc)

    def f32_dot(x, y):
        return lax.dot_general(x, y, (((1,), (1,)), ((), ())),
                               preferred_element_type=jnp.float32,
                               precision=lax.Precision.HIGHEST)

    g_step = f32_dot(a_ref[:, 0, :], t_ref[:, 0, :])
    nt_step = f32_dot(jnp.ones((1, 128), jnp.float32),
                      t_ref[:, 0, :] * t_ref[:, 0, :])
    for t in range(1, KSUB):
        T = t_ref[:, t, :]
        g_step += f32_dot(a_ref[:, t, :], T)
        nt_step += f32_dot(jnp.ones((1, 128), jnp.float32), T * T)
    g_acc[...] += g_step
    nt_acc[...] += nt_step

    @pl.when(k == KSTEPS - 1)
    def _epilogue():
        _tc_epilogue(idx_ref, g_acc, nt_acc)


def _tc_epilogue(idx_ref, g_acc, nt_acc):
    G = g_acc[...]
    nT = nt_acc[...]
    i_io = lax.broadcasted_iota(jnp.int32, (NB, NB), 0)
    j_io = lax.broadcasted_iota(jnp.int32, (NB, NB), 1)
    o = j_io - i_io
    dy = (o + 12) // 24
    dx = o - 24 * dy
    by = i_io // BW
    bx = i_io % BW
    valid = ((dy >= -S) & (dy <= S) & (dx >= -S) & (dx <= S)
             & (by + dy >= 0) & (by + dy < BH)
             & (bx + dx >= 0) & (bx + dx < BW))
    cost = nT - 2.0 * G
    cost = jnp.where(valid, cost, jnp.inf)
    cost3 = cost.reshape(BH, BW, NB)
    j3 = lax.broadcasted_iota(jnp.int32, (BH, BW, NB), 2)
    m = jnp.min(cost3, axis=2, keepdims=True)
    bj = jnp.min(jnp.where(cost3 <= m, j3, jnp.int32(1 << 30)), axis=2)
    ny = bj // BW
    nx = bj % BW
    u = 384 * ny + nx
    nc_io = lax.broadcasted_iota(jnp.int32, (24, BH, BLK, BW), 0)
    r_io = lax.broadcasted_iota(jnp.int32, (24, BH, BLK, BW), 2)
    idx_ref[...] = 9216 * nc_io + 24 * r_io + u[None, :, None, :]


def _tc_cost(A_3d, T_3d):
    return pl.pallas_call(
        _tc_cost_body,
        grid=(KSTEPS,),
        in_specs=[
            pl.BlockSpec((NB, KSUB, 128), lambda k: (0, k, 0)),
            pl.BlockSpec((NB, KSUB, 128), lambda k: (0, k, 0)),
        ],
        out_specs=pl.BlockSpec((24, BH, BLK, BW), lambda k: (0, 0, 0, 0)),
        out_shape=jax.ShapeDtypeStruct((24, BH, BLK, BW), jnp.int32),
        scratch_shapes=[
            pltpu.VMEM((NB, NB), jnp.float32),
            pltpu.VMEM((1, NB), jnp.float32),
        ],
    )(A_3d, T_3d)


def _sc_blockify_body(a_tab, t_tab, a_out, t_out, idx_v, rows_v, sem):
    wid = lax.axis_index("s") * NC_SC + lax.axis_index("c")
    base = wid * RPW
    lane24 = 24 * lax.iota(jnp.int32, 16)

    def idx_step(ii):
        nc = ii % 24
        i_blk = wid * 18 + ii // 24
        sbase = 9216 * nc + 384 * (i_blk // 24) + i_blk % 24
        idx_v[ii // 8, pl.ds(16 * (ii % 8), 16)] = sbase + lane24

    pl.loop(0, 432)(idx_step)

    def run_gather(tab, out):
        def chunk(g):
            pltpu.async_copy(tab.at[idx_v.at[g]],
                             rows_v.at[pl.ds(g * CHUNK, CHUNK)], sem)

        pl.loop(0, NCH)(chunk)
        pltpu.make_async_copy(tab.at[pl.ds(0, RPW)], rows_v, sem).wait()
        pltpu.sync_copy(rows_v, out.at[pl.ds(base, RPW)])

    run_gather(a_tab, a_out)
    run_gather(t_tab, t_out)


@functools.lru_cache(maxsize=1)
def _sc_blockify_fn():
    return pl.kernel(
        _sc_blockify_body,
        out_type=(jax.ShapeDtypeStruct((ROWS, 16), jnp.float32),
                  jax.ShapeDtypeStruct((ROWS, 16), jnp.float32)),
        mesh=plsc.VectorSubcoreMesh(core_axis_name="c", subcore_axis_name="s"),
        scratch_types=[
            pltpu.VMEM((NCH, CHUNK), jnp.int32),
            pltpu.VMEM((RPW, 16), jnp.float32),
            pltpu.SemaphoreType.DMA,
        ],
        compiler_params=pltpu.CompilerParams(use_tc_tiling_on_sc=False),
    )


def _sc_gather_body(table_hbm, idx_hbm, out_hbm, idx_v, rows_v, sem):
    wid = lax.axis_index("s") * NC_SC + lax.axis_index("c")
    base = wid * RPW
    pltpu.sync_copy(idx_hbm.at[wid], idx_v)

    def chunk(g):
        pltpu.async_copy(table_hbm.at[idx_v.at[g]],
                         rows_v.at[pl.ds(g * CHUNK, CHUNK)], sem)

    pl.loop(0, NCH)(chunk)
    pltpu.make_async_copy(table_hbm.at[pl.ds(0, RPW)], rows_v, sem).wait()
    pltpu.sync_copy(rows_v, out_hbm.at[pl.ds(base, RPW)])


@functools.lru_cache(maxsize=1)
def _sc_gather_fn():
    return pl.kernel(
        _sc_gather_body,
        out_type=jax.ShapeDtypeStruct((ROWS, 16), jnp.float32),
        mesh=plsc.VectorSubcoreMesh(core_axis_name="c", subcore_axis_name="s"),
        scratch_types=[
            pltpu.VMEM((NCH, CHUNK), jnp.int32),
            pltpu.VMEM((RPW, 16), jnp.float32),
            pltpu.SemaphoreType.DMA,
        ],
        compiler_params=pltpu.CompilerParams(use_tc_tiling_on_sc=False),
    )


def kernel(anchor_frame, target_frame):
    a_tab = anchor_frame.reshape(ROWS, 16)
    t_tab = target_frame.reshape(ROWS, 16)
    A_2d, T_2d = _sc_blockify_fn()(a_tab, t_tab)
    idx4 = _tc_cost(A_2d.reshape(NB, 48, 128), T_2d.reshape(NB, 48, 128))
    idx2d = idx4.reshape(NW, NCH, CHUNK)
    out2d = _sc_gather_fn()(a_tab, idx2d)
    return out2d.reshape(8, 3, 384, 384)

# --- scband reference (transcript-rebuilt; emitter-appended) ---
"""Pipeline reference for scband-hbma-optimized-27565100106067 (READ-ONLY COPY).

The authoritative reference and input builder live on the scoring server;
editing this copy changes nothing except your own understanding.
"""

import jax, jax.numpy as jnp
import numpy as np

BLOCK_H = 16
BLOCK_W = 16
SEARCH = 3


def setup_inputs(seed: int = 0) -> dict:
    key = jax.random.key(seed)
    k1, k2 = jax.random.split(key)
    anchor_frame = jax.random.normal(k1, (8, 3, 384, 384), dtype=jnp.float32)
    target_frame = jax.random.normal(k2, (8, 3, 384, 384), dtype=jnp.float32)
    return {"anchor_frame": anchor_frame, "target_frame": target_frame}


def _blockify(f, bh, bw):
    N, C, H, W = f.shape
    # -> [BH, BW, N, C, bh, bw]
    return f.reshape(N, C, H // bh, bh, W // bw, bw).transpose(2, 4, 0, 1, 3, 5)


def _unblockify(blocks, N, C, H, W, bh, bw):
    # blocks: [BH, BW, N, C, bh, bw] -> [N, C, H, W]
    return blocks.transpose(2, 3, 0, 4, 1, 5).reshape(N, C, H, W)


def reference(anchor_frame, target_frame):
    bh, bw, s = BLOCK_H, BLOCK_W, SEARCH
    N, C, H, W = anchor_frame.shape
    BH, BW = H // bh, W // bw
    A = _blockify(anchor_frame, bh, bw)  # [BH, BW, N, C, bh, bw]
    T = _blockify(target_frame, bh, bw)
    by = jnp.arange(BH)[:, None]  # [BH,1]
    bx = jnp.arange(BW)[None, :]  # [1,BW]
    costs = []
    dys = []
    dxs = []
    # scan order matches the torch double loop (dy outer, dx inner), so
    # argmin-first-occurrence reproduces the strict '<' tie-breaking.
    for dy in range(-s, s + 1):
        for dx in range(-s, s + 1):
            Ts = jnp.roll(T, (-dy, -dx), axis=(0, 1))  # Ts[by,bx] = T[by+dy, bx+dx] (mod)
            c = jnp.sum((A - Ts) ** 2, axis=(2, 3, 4, 5))  # SSD over N,C,h,w -> [BH,BW]
            valid = (by + dy >= 0) & (by + dy < BH) & (bx + dx >= 0) & (bx + dx < BW)
            costs.append(jnp.where(valid, c, jnp.inf))
            dys.append(dy)
            dxs.append(dx)
    costs = jnp.stack(costs, axis=0)  # [K, BH, BW]
    idx = jnp.argmin(costs, axis=0)  # first min in scan order
    dys = jnp.array(dys)
    dxs = jnp.array(dxs)
    best_ny = by + dys[idx]  # [BH, BW]
    best_nx = bx + dxs[idx]
    # reconstructed block comes from the ANCHOR frame at the best neighbor
    out_blocks = A[best_ny, best_nx]  # [BH, BW, N, C, bh, bw]
    return _unblockify(out_blocks, N, C, H, W, bh, bw)

if __name__ == "__main__":
    import jax
    _d = setup_inputs()
    print(jax.jit(kernel)(*tuple(_d.values())))

</pallas_src>

<mosaic_0001>
#map = affine_map<(d0, d1) -> (0, 0)>
#map1 = affine_map<(d0, d1) -> (0, 0, 0)>
module attributes {stable_mosaic.version = 14 : i64} {
  func.func @_sc_gather_body(%arg0: i32, %arg1: i32, %arg2: memref<221184x16xf32, #tpu.memory_space<hbm>>, %arg3: memref<32x54x128xi32, #tpu.memory_space<hbm>>, %arg4: memref<221184x16xf32, #tpu.memory_space<hbm>>, %arg5: memref<54x128xi32, #tpu.memory_space<vmem>>, %arg6: memref<6912x16xf32, #tpu.memory_space<vmem>>, %arg7: memref<!tpu.dma_semaphore, #tpu.memory_space<semaphore_mem>>) attributes {dimension_semantics = [#tpu.dimension_semantics<core_parallel>, #tpu.dimension_semantics<subcore_parallel>], iteration_bounds = array<i64: 2, 16>, scalar_prefetch = 0 : i64, scratch_operands = 3 : i64, tpu.core_type = #tpu.core_type<sc_vector_subcore>, window_params = [{transform_indices = #map}, {transform_indices = #map1}, {transform_indices = #map}]} {
    %mul3A = arith.constant 2 : i32
    %mul3A_0 = arith.muli %arg1, %mul3A : i32
    %add3A = arith.addi %mul3A_0, %arg0 : i32
    %mul3A_1 = arith.constant 6912 : i32
    %mul3A_2 = arith.muli %add3A, %mul3A_1 : i32
    "tpu.region"() ({
      %run_scoped3A = tpu.sem_alloc : memref<!tpu.dma_semaphore, #tpu.memory_space<semaphore_mem>>
      %dma_start3A = arith.constant 0 : i32
      %dma_start3A_12 = arith.constant 0 : i32
      %dma_start3A_13 = tpu.memref_slice %arg3[%add3A, %dma_start3A, %dma_start3A_12] : memref<32x54x128xi32, #tpu.memory_space<hbm>> -> memref<1x54x128xi32, #tpu.memory_space<hbm>>
      %dma_start3A_14 = tpu.memref_squeeze %dma_start3A_13 : memref<1x54x128xi32, #tpu.memory_space<hbm>> -> memref<54x128xi32, #tpu.memory_space<hbm>>
      %dma_start3A_15 = arith.constant 0 : i32
      %dma_start3A_16 = arith.constant 0 : i32
      %dma_start3A_17 = tpu.memref_slice %arg3[%add3A, %dma_start3A_15, %dma_start3A_16] : memref<32x54x128xi32, #tpu.memory_space<hbm>> -> memref<1x54x128xi32, #tpu.memory_space<hbm>>
      %dma_start3A_18 = tpu.memref_squeeze %dma_start3A_17 : memref<1x54x128xi32, #tpu.memory_space<hbm>> -> memref<54x128xi32, #tpu.memory_space<hbm>>
      tpu.enqueue_dma source(%dma_start3A_18 : memref<54x128xi32, #tpu.memory_space<hbm>>) target(%arg5 : memref<54x128xi32, #tpu.memory_space<vmem>>) target_semaphore(%run_scoped3A : memref<!tpu.dma_semaphore, #tpu.memory_space<semaphore_mem>>)
      %dma_wait3A_19 = arith.constant 0 : i32
      %dma_wait3A_20 = arith.constant 0 : i32
      %dma_wait3A_21 = tpu.memref_slice %arg3[%add3A, %dma_wait3A_19, %dma_wait3A_20] : memref<32x54x128xi32, #tpu.memory_space<hbm>> -> memref<1x54x128xi32, #tpu.memory_space<hbm>>
      %dma_wait3A_22 = tpu.memref_squeeze %dma_wait3A_21 : memref<1x54x128xi32, #tpu.memory_space<hbm>> -> memref<54x128xi32, #tpu.memory_space<hbm>>
      %dma_wait3A_23 = arith.constant 0 : i32
      %dma_wait3A_24 = arith.constant 0 : i32
      %dma_wait3A_25 = tpu.memref_slice %arg3[%add3A, %dma_wait3A_23, %dma_wait3A_24] : memref<32x54x128xi32, #tpu.memory_space<hbm>> -> memref<1x54x128xi32, #tpu.memory_space<hbm>>
      %dma_wait3A_26 = tpu.memref_squeeze %dma_wait3A_25 : memref<1x54x128xi32, #tpu.memory_space<hbm>> -> memref<54x128xi32, #tpu.memory_space<hbm>>
      tpu.wait_dma2 semaphore(%run_scoped3A : memref<!tpu.dma_semaphore, #tpu.memory_space<semaphore_mem>>) src(%dma_wait3A_26 : memref<54x128xi32, #tpu.memory_space<hbm>>) dst(%arg5 : memref<54x128xi32, #tpu.memory_space<vmem>>)
      tpu.yield
    }) : () -> ()
    %scan3A = arith.constant 0 : i32
    %scan3A_3 = arith.constant 54 : i32
    %scan3A_4 = arith.addi %scan3A, %scan3A_3 : i32
    %scan3A_5 = arith.constant 1 : i32
    scf.for %scan3A_12 = %scan3A to %scan3A_4 step %scan3A_5  : i32 {
      %mul3A_13 = arith.constant 1 : i32
      %mul3A_14 = arith.muli %scan3A_12, %mul3A_13 : i32
      %add3A_15 = arith.constant 0 : i32
      %add3A_16 = arith.addi %add3A_15, %mul3A_14 : i32
      %mul3A_17 = arith.constant 128 : i32
      %mul3A_18 = arith.muli %add3A_16, %mul3A_17 : i32
      %dma_start3A = arith.constant 0 : i32
      %dma_start3A_19 = tpu.memref_slice %arg6[%mul3A_18, %dma_start3A] : memref<6912x16xf32, #tpu.memory_space<vmem>> -> memref<128x16xf32, #tpu.memory_space<vmem>>
      %dma_start3A_20 = arith.constant 0 : i32
      %dma_start3A_21 = tpu.memref_slice %arg5[%add3A_16, %dma_start3A_20] : memref<54x128xi32, #tpu.memory_space<vmem>> -> memref<1x128xi32, #tpu.memory_space<vmem>>
      %dma_start3A_22 = tpu.memref_squeeze %dma_start3A_21 : memref<1x128xi32, #tpu.memory_space<vmem>> -> memref<128xi32, #tpu.memory_space<vmem>>
      %dma_start3A_23 = arith.constant 0 : i32
      %dma_start3A_24 = arith.constant 0 : i32
      %dma_start3A_25 = tpu.memref_slice %arg2[%dma_start3A_23, %dma_start3A_24] : memref<221184x16xf32, #tpu.memory_space<hbm>> -> memref<221184x16xf32, #tpu.memory_space<hbm>>
      tpu.enqueue_indirect_dma source(%dma_start3A_25 : memref<221184x16xf32, #tpu.memory_space<hbm>>) target(%dma_start3A_19 : memref<128x16xf32, #tpu.memory_space<vmem>>) offsets(%dma_start3A_22 : memref<128xi32, #tpu.memory_space<vmem>>) semaphore(%arg7 : memref<!tpu.dma_semaphore, #tpu.memory_space<semaphore_mem>>)
    }
    %scan3A_6 = arith.constant 54 : i32
    %dma_wait3A = arith.constant 0 : i32
    %dma_wait3A_7 = arith.constant 0 : i32
    %dma_wait3A_8 = tpu.memref_slice %arg2[%dma_wait3A, %dma_wait3A_7] : memref<221184x16xf32, #tpu.memory_space<hbm>> -> memref<6912x16xf32, #tpu.memory_space<hbm>>
    %dma_wait3A_9 = arith.constant 0 : i32
    %dma_wait3A_10 = arith.constant 0 : i32
    %dma_wait3A_11 = tpu.memref_slice %arg2[%dma_wait3A_9, %dma_wait3A_10] : memref<221184x16xf32, #tpu.memory_space<hbm>> -> memref<6912x16xf32, #tpu.memory_space<hbm>>
    tpu.wait_dma2 semaphore(%arg7 : memref<!tpu.dma_semaphore, #tpu.memory_space<semaphore_mem>>) src(%dma_wait3A_11 : memref<6912x16xf32, #tpu.memory_space<hbm>>) dst(%arg6 : memref<6912x16xf32, #tpu.memory_space<vmem>>)
    "tpu.region"() ({
      %run_scoped3A = tpu.sem_alloc : memref<!tpu.dma_semaphore, #tpu.memory_space<semaphore_mem>>
      %dma_start3A = arith.constant 0 : i32
      %dma_start3A_12 = tpu.memref_slice %arg4[%mul3A_2, %dma_start3A] : memref<221184x16xf32, #tpu.memory_space<hbm>> -> memref<6912x16xf32, #tpu.memory_space<hbm>>
      %dma_start3A_13 = arith.constant 0 : i32
      %dma_start3A_14 = tpu.memref_slice %arg4[%mul3A_2, %dma_start3A_13] : memref<221184x16xf32, #tpu.memory_space<hbm>> -> memref<6912x16xf32, #tpu.memory_space<hbm>>
      tpu.enqueue_dma source(%arg6 : memref<6912x16xf32, #tpu.memory_space<vmem>>) target(%dma_start3A_14 : memref<6912x16xf32, #tpu.memory_space<hbm>>) target_semaphore(%run_scoped3A : memref<!tpu.dma_semaphore, #tpu.memory_space<semaphore_mem>>)
      %dma_wait3A_15 = arith.constant 0 : i32
      %dma_wait3A_16 = tpu.memref_slice %arg4[%mul3A_2, %dma_wait3A_15] : memref<221184x16xf32, #tpu.memory_space<hbm>> -> memref<6912x16xf32, #tpu.memory_space<hbm>>
      %dma_wait3A_17 = arith.constant 0 : i32
      %dma_wait3A_18 = tpu.memref_slice %arg4[%mul3A_2, %dma_wait3A_17] : memref<221184x16xf32, #tpu.memory_space<hbm>> -> memref<6912x16xf32, #tpu.memory_space<hbm>>
      tpu.wait_dma2 semaphore(%run_scoped3A : memref<!tpu.dma_semaphore, #tpu.memory_space<semaphore_mem>>) src(%arg6 : memref<6912x16xf32, #tpu.memory_space<vmem>>) dst(%dma_wait3A_18 : memref<6912x16xf32, #tpu.memory_space<hbm>>)
      tpu.yield
    }) : () -> ()
    return
  }
}

#map = affine_map<(d0, d1) -> (0, 0)>
module attributes {stable_mosaic.version = 14 : i64} {
  func.func @_sc_blockify_body(%arg0: i32, %arg1: i32, %arg2: memref<221184x16xf32, #tpu.memory_space<hbm>>, %arg3: memref<221184x16xf32, #tpu.memory_space<hbm>>, %arg4: memref<221184x16xf32, #tpu.memory_space<hbm>>, %arg5: memref<221184x16xf32, #tpu.memory_space<hbm>>, %arg6: memref<54x128xi32, #tpu.memory_space<vmem>>, %arg7: memref<6912x16xf32, #tpu.memory_space<vmem>>, %arg8: memref<!tpu.dma_semaphore, #tpu.memory_space<semaphore_mem>>) attributes {dimension_semantics = [#tpu.dimension_semantics<core_parallel>, #tpu.dimension_semantics<subcore_parallel>], iteration_bounds = array<i64: 2, 16>, scalar_prefetch = 0 : i64, scratch_operands = 3 : i64, tpu.core_type = #tpu.core_type<sc_vector_subcore>, window_params = [{transform_indices = #map}, {transform_indices = #map}, {transform_indices = #map}, {transform_indices = #map}]} {
    %mul3A = arith.constant 2 : i32
    %mul3A_0 = arith.muli %arg1, %mul3A : i32
    %add3A = arith.addi %mul3A_0, %arg0 : i32
    %mul3A_1 = arith.constant 6912 : i32
    %mul3A_2 = arith.muli %add3A, %mul3A_1 : i32
    %iota3A = tpu.iota {dimensions = array<i32: 0>} : vector<16xi32>
    %mul3A_3 = arith.constant 24 : i32
    %mul3A_4 = vector.broadcast %mul3A_3 : i32 to vector<16xi32>
    %mul3A_5 = arith.muli %mul3A_4, %iota3A : vector<16xi32>
    %scan3A = arith.constant 0 : i32
    %scan3A_6 = arith.constant 432 : i32
    %scan3A_7 = arith.addi %scan3A, %scan3A_6 : i32
    %scan3A_8 = arith.constant 1 : i32
    scf.for %scan3A_31 = %scan3A to %scan3A_7 step %scan3A_8  : i32 {
      %mul3A_32 = arith.constant 1 : i32
      %mul3A_33 = arith.muli %scan3A_31, %mul3A_32 : i32
      %add3A_34 = arith.constant 0 : i32
      %add3A_35 = arith.addi %add3A_34, %mul3A_33 : i32
      %jit3A = arith.constant 24 : i32
      %eq3A = arith.constant 0 : i32
      %eq3A_36 = arith.cmpi eq, %jit3A, %eq3A : i32
      %jit3A_37 = arith.constant 1 : i32
      %select_n3A = arith.select %eq3A_36, %jit3A_37, %jit3A : i32
      %rem3A = arith.remsi %add3A_35, %select_n3A : i32
      %ne3A = arith.constant 0 : i32
      %ne3A_38 = arith.cmpi ne, %rem3A, %ne3A : i32
      %lt3A = arith.constant 0 : i32
      %lt3A_39 = arith.cmpi slt, %rem3A, %lt3A : i32
      %lt3A_40 = arith.constant 0 : i32
      %lt3A_41 = arith.cmpi slt, %select_n3A, %lt3A_40 : i32
      %ne3A_42 = arith.xori %lt3A_39, %lt3A_41 : i1
      %and3A = arith.andi %ne3A_42, %ne3A_38 : i1
      %add3A_43 = arith.addi %rem3A, %select_n3A : i32
      %select_n3A_44 = arith.select %and3A, %add3A_43, %rem3A : i32
      %mul3A_45 = arith.constant 18 : i32
      %mul3A_46 = arith.muli %add3A, %mul3A_45 : i32
      %jit3A_47 = arith.constant 24 : i32
      %div3A = arith.divsi %add3A_35, %jit3A_47 : i32
      %sign3A = arith.constant 0 : i32
      %sign3A_48 = arith.cmpi sgt, %add3A_35, %sign3A : i32
      %sign3A_49 = arith.extui %sign3A_48 : i1 to i32
      %sign3A_50 = arith.constant 0 : i32
      %sign3A_51 = arith.cmpi slt, %add3A_35, %sign3A_50 : i32
      %sign3A_52 = arith.extui %sign3A_51 : i1 to i32
      %sign3A_53 = arith.subi %sign3A_49, %sign3A_52 : i32
      %sign3A_54 = arith.constant 0 : i32
      %sign3A_55 = arith.cmpi sgt, %jit3A_47, %sign3A_54 : i32
      %sign3A_56 = arith.extui %sign3A_55 : i1 to i32
      %sign3A_57 = arith.constant 0 : i32
      %sign3A_58 = arith.cmpi slt, %jit3A_47, %sign3A_57 : i32
      %sign3A_59 = arith.extui %sign3A_58 : i1 to i32
      %sign3A_60 = arith.subi %sign3A_56, %sign3A_59 : i32
      %ne3A_61 = arith.cmpi ne, %sign3A_53, %sign3A_60 : i32
      %rem3A_62 = arith.remsi %add3A_35, %jit3A_47 : i32
      %ne3A_63 = arith.constant 0 : i32
      %ne3A_64 = arith.cmpi ne, %rem3A_62, %ne3A_63 : i32
      %and3A_65 = arith.andi %ne3A_61, %ne3A_64 : i1
      %sub3A = arith.constant 1 : i32
      %sub3A_66 = arith.subi %div3A, %sub3A : i32
      %select_n3A_67 = arith.select %and3A_65, %sub3A_66, %div3A : i32
      %add3A_68 = arith.addi %mul3A_46, %select_n3A_67 : i32
      %mul3A_69 = arith.constant 9216 : i32
      %mul3A_70 = arith.muli %mul3A_69, %select_n3A_44 : i32
      %jit3A_71 = arith.constant 24 : i32
      %div3A_72 = arith.divsi %add3A_68, %jit3A_71 : i32
      %sign3A_73 = arith.constant 0 : i32
      %sign3A_74 = arith.cmpi sgt, %add3A_68, %sign3A_73 : i32
      %sign3A_75 = arith.extui %sign3A_74 : i1 to i32
      %sign3A_76 = arith.constant 0 : i32
      %sign3A_77 = arith.cmpi slt, %add3A_68, %sign3A_76 : i32
      %sign3A_78 = arith.extui %sign3A_77 : i1 to i32
      %sign3A_79 = arith.subi %sign3A_75, %sign3A_78 : i32
      %sign3A_80 = arith.constant 0 : i32
      %sign3A_81 = arith.cmpi sgt, %jit3A_71, %sign3A_80 : i32
      %sign3A_82 = arith.extui %sign3A_81 : i1 to i32
      %sign3A_83 = arith.constant 0 : i32
      %sign3A_84 = arith.cmpi slt, %jit3A_71, %sign3A_83 : i32
      %sign3A_85 = arith.extui %sign3A_84 : i1 to i32
      %sign3A_86 = arith.subi %sign3A_82, %sign3A_85 : i32
      %ne3A_87 = arith.cmpi ne, %sign3A_79, %sign3A_86 : i32
      %rem3A_88 = arith.remsi %add3A_68, %jit3A_71 : i32
      %ne3A_89 = arith.constant 0 : i32
      %ne3A_90 = arith.cmpi ne, %rem3A_88, %ne3A_89 : i32
      %and3A_91 = arith.andi %ne3A_87, %ne3A_90 : i1
      %sub3A_92 = arith.constant 1 : i32
      %sub3A_93 = arith.subi %div3A_72, %sub3A_92 : i32
      %select_n3A_94 = arith.select %and3A_91, %sub3A_93, %div3A_72 : i32
      %mul3A_95 = arith.constant 384 : i32
      %mul3A_96 = arith.muli %mul3A_95, %select_n3A_94 : i32
      %add3A_97 = arith.addi %mul3A_70, %mul3A_96 : i32
      %jit3A_98 = arith.constant 24 : i32
      %eq3A_99 = arith.constant 0 : i32
      %eq3A_100 = arith.cmpi eq, %jit3A_98, %eq3A_99 : i32
      %jit3A_101 = arith.constant 1 : i32
      %select_n3A_102 = arith.select %eq3A_100, %jit3A_101, %jit3A_98 : i32
      %rem3A_103 = arith.remsi %add3A_68, %select_n3A_102 : i32
      %ne3A_104 = arith.constant 0 : i32
      %ne3A_105 = arith.cmpi ne, %rem3A_103, %ne3A_104 : i32
      %lt3A_106 = arith.constant 0 : i32
      %lt3A_107 = arith.cmpi slt, %rem3A_103, %lt3A_106 : i32
      %lt3A_108 = arith.constant 0 : i32
      %lt3A_109 = arith.cmpi slt, %select_n3A_102, %lt3A_108 : i32
      %ne3A_110 = arith.xori %lt3A_107, %lt3A_109 : i1
      %and3A_111 = arith.andi %ne3A_110, %ne3A_105 : i1
      %add3A_112 = arith.addi %rem3A_103, %select_n3A_102 : i32
      %select_n3A_113 = arith.select %and3A_111, %add3A_112, %rem3A_103 : i32
      %add3A_114 = arith.addi %add3A_97, %select_n3A_113 : i32
      %add3A_115 = vector.broadcast %add3A_114 : i32 to vector<16xi32>
      %add3A_116 = arith.addi %add3A_115, %mul3A_5 : vector<16xi32>
      %jit3A_117 = arith.constant 8 : i32
      %div3A_118 = arith.divsi %add3A_35, %jit3A_117 : i32
      %sign3A_119 = arith.constant 0 : i32
      %sign3A_120 = arith.cmpi sgt, %add3A_35, %sign3A_119 : i32
      %sign3A_121 = arith.extui %sign3A_120 : i1 to i32
      %sign3A_122 = arith.constant 0 : i32
      %sign3A_123 = arith.cmpi slt, %add3A_35, %sign3A_122 : i32
      %sign3A_124 = arith.extui %sign3A_123 : i1 to i32
      %sign3A_125 = arith.subi %sign3A_121, %sign3A_124 : i32
      %sign3A_126 = arith.constant 0 : i32
      %sign3A_127 = arith.cmpi sgt, %jit3A_117, %sign3A_126 : i32
      %sign3A_128 = arith.extui %sign3A_127 : i1 to i32
      %sign3A_129 = arith.constant 0 : i32
      %sign3A_130 = arith.cmpi slt, %jit3A_117, %sign3A_129 : i32
      %sign3A_131 = arith.extui %sign3A_130 : i1 to i32
      %sign3A_132 = arith.subi %sign3A_128, %sign3A_131 : i32
      %ne3A_133 = arith.cmpi ne, %sign3A_125, %sign3A_132 : i32
      %rem3A_134 = arith.remsi %add3A_35, %jit3A_117 : i32
      %ne3A_135 = arith.constant 0 : i32
      %ne3A_136 = arith.cmpi ne, %rem3A_134, %ne3A_135 : i32
      %and3A_137 = arith.andi %ne3A_133, %ne3A_136 : i1
      %sub3A_138 = arith.constant 1 : i32
      %sub3A_139 = arith.subi %div3A_118, %sub3A_138 : i32
      %select_n3A_140 = arith.select %and3A_137, %sub3A_139, %div3A_118 : i32
      %jit3A_141 = arith.constant 8 : i32
      %eq3A_142 = arith.constant 0 : i32
      %eq3A_143 = arith.cmpi eq, %jit3A_141, %eq3A_142 : i32
      %jit3A_144 = arith.constant 1 : i32
      %select_n3A_145 = arith.select %eq3A_143, %jit3A_144, %jit3A_141 : i32
      %rem3A_146 = arith.remsi %add3A_35, %select_n3A_145 : i32
      %ne3A_147 = arith.constant 0 : i32
      %ne3A_148 = arith.cmpi ne, %rem3A_146, %ne3A_147 : i32
      %lt3A_149 = arith.constant 0 : i32
      %lt3A_150 = arith.cmpi slt, %rem3A_146, %lt3A_149 : i32
      %lt3A_151 = arith.constant 0 : i32
      %lt3A_152 = arith.cmpi slt, %select_n3A_145, %lt3A_151 : i32
      %ne3A_153 = arith.xori %lt3A_150, %lt3A_152 : i1
      %and3A_154 = arith.andi %ne3A_153, %ne3A_148 : i1
      %add3A_155 = arith.addi %rem3A_146, %select_n3A_145 : i32
      %select_n3A_156 = arith.select %and3A_154, %add3A_155, %rem3A_146 : i32
      %mul3A_157 = arith.constant 16 : i32
      %mul3A_158 = arith.muli %mul3A_157, %select_n3A_156 : i32
      %swap3A = arith.index_cast %select_n3A_140 : i32 to index
      %swap3A_159 = arith.index_cast %mul3A_158 : i32 to index
      %swap3A_160 = tpu.vector_load %arg6[%swap3A, %swap3A_159] {strides = array<i32>} : memref<54x128xi32, #tpu.memory_space<vmem>>, vector<1x16xi32>,
      %swap3A_161 = vector.shape_cast %swap3A_160 : vector<1x16xi32> to vector<16xi32>
      %swap3A_162 = vector.shape_cast %add3A_116 : vector<16xi32> to vector<1x16xi32>
      tpu.vector_store %arg6[%swap3A, %swap3A_159], %swap3A_162 {strides = array<i32>} : memref<54x128xi32, #tpu.memory_space<vmem>>, vector<1x16xi32>,
    }
    %scan3A_9 = arith.constant 432 : i32
    %scan3A_10 = arith.constant 0 : i32
    %scan3A_11 = arith.constant 54 : i32
    %scan3A_12 = arith.addi %scan3A_10, %scan3A_11 : i32
    %scan3A_13 = arith.constant 1 : i32
    scf.for %scan3A_31 = %scan3A_10 to %scan3A_12 step %scan3A_13  : i32 {
      %mul3A_32 = arith.constant 1 : i32
      %mul3A_33 = arith.muli %scan3A_31, %mul3A_32 : i32
      %add3A_34 = arith.constant 0 : i32
      %add3A_35 = arith.addi %add3A_34, %mul3A_33 : i32
      %mul3A_36 = arith.constant 128 : i32
      %mul3A_37 = arith.muli %add3A_35, %mul3A_36 : i32
      %dma_start3A = arith.constant 0 : i32
      %dma_start3A_38 = tpu.memref_slice %arg7[%mul3A_37, %dma_start3A] : memref<6912x16xf32, #tpu.memory_space<vmem>> -> memref<128x16xf32, #tpu.memory_space<vmem>>
      %dma_start3A_39 = arith.constant 0 : i32
      %dma_start3A_40 = tpu.memref_slice %arg6[%add3A_35, %dma_start3A_39] : memref<54x128xi32, #tpu.memory_space<vmem>> -> memref<1x128xi32, #tpu.memory_space<vmem>>
      %dma_start3A_41 = tpu.memref_squeeze %dma_start3A_40 : memref<1x128xi32, #tpu.memory_space<vmem>> -> memref<128xi32, #tpu.memory_space<vmem>>
      %dma_start3A_42 = arith.constant 0 : i32
      %dma_start3A_43 = arith.constant 0 : i32
      %dma_start3A_44 = tpu.memref_slice %arg2[%dma_start3A_42, %dma_start3A_43] : memref<221184x16xf32, #tpu.memory_space<hbm>> -> memref<221184x16xf32, #tpu.memory_space<hbm>>
      tpu.enqueue_indirect_dma source(%dma_start3A_44 : memref<221184x16xf32, #tpu.memory_space<hbm>>) target(%dma_start3A_38 : memref<128x16xf32, #tpu.memory_space<vmem>>) offsets(%dma_start3A_41 : memref<128xi32, #tpu.memory_space<vmem>>) semaphore(%arg8 : memref<!tpu.dma_semaphore, #tpu.memory_space<semaphore_mem>>)
    }
    %scan3A_14 = arith.constant 54 : i32
    %dma_wait3A = arith.constant 0 : i32
    %dma_wait3A_15 = arith.constant 0 : i32
    %dma_wait3A_16 = tpu.memref_slice %arg2[%dma_wait3A, %dma_wait3A_15] : memref<221184x16xf32, #tpu.memory_space<hbm>> -> memref<6912x16xf32, #tpu.memory_space<hbm>>
    %dma_wait3A_17 = arith.constant 0 : i32
    %dma_wait3A_18 = arith.constant 0 : i32
    %dma_wait3A_19 = tpu.memref_slice %arg2[%dma_wait3A_17, %dma_wait3A_18] : memref<221184x16xf32, #tpu.memory_space<hbm>> -> memref<6912x16xf32, #tpu.memory_space<hbm>>
    tpu.wait_dma2 semaphore(%arg8 : memref<!tpu.dma_semaphore, #tpu.memory_space<semaphore_mem>>) src(%dma_wait3A_19 : memref<6912x16xf32, #tpu.memory_space<hbm>>) dst(%arg7 : memref<6912x16xf32, #tpu.memory_space<vmem>>)
    "tpu.region"() ({
      %run_scoped3A = tpu.sem_alloc : memref<!tpu.dma_semaphore, #tpu.memory_space<semaphore_mem>>
      %dma_start3A = arith.constant 0 : i32
      %dma_start3A_31 = tpu.memref_slice %arg4[%mul3A_2, %dma_start3A] : memref<221184x16xf32, #tpu.memory_space<hbm>> -> memref<6912x16xf32, #tpu.memory_space<hbm>>
      %dma_start3A_32 = arith.constant 0 : i32
      %dma_start3A_33 = tpu.memref_slice %arg4[%mul3A_2, %dma_start3A_32] : memref<221184x16xf32, #tpu.memory_space<hbm>> -> memref<6912x16xf32, #tpu.memory_space<hbm>>
      tpu.enqueue_dma source(%arg7 : memref<6912x16xf32, #tpu.memory_space<vmem>>) target(%dma_start3A_33 : memref<6912x16xf32, #tpu.memory_space<hbm>>) target_semaphore(%run_scoped3A : memref<!tpu.dma_semaphore, #tpu.memory_space<semaphore_mem>>)
      %dma_wait3A_34 = arith.constant 0 : i32
      %dma_wait3A_35 = tpu.memref_slice %arg4[%mul3A_2, %dma_wait3A_34] : memref<221184x16xf32, #tpu.memory_space<hbm>> -> memref<6912x16xf32, #tpu.memory_space<hbm>>
      %dma_wait3A_36 = arith.constant 0 : i32
      %dma_wait3A_37 = tpu.memref_slice %arg4[%mul3A_2, %dma_wait3A_36] : memref<221184x16xf32, #tpu.memory_space<hbm>> -> memref<6912x16xf32, #tpu.memory_space<hbm>>
      tpu.wait_dma2 semaphore(%run_scoped3A : memref<!tpu.dma_semaphore, #tpu.memory_space<semaphore_mem>>) src(%arg7 : memref<6912x16xf32, #tpu.memory_space<vmem>>) dst(%dma_wait3A_37 : memref<6912x16xf32, #tpu.memory_space<hbm>>)
      tpu.yield
    }) : () -> ()
    %scan3A_20 = arith.constant 0 : i32
    %scan3A_21 = arith.constant 54 : i32
    %scan3A_22 = arith.addi %scan3A_20, %scan3A_21 : i32
    %scan3A_23 = arith.constant 1 : i32
    scf.for %scan3A_31 = %scan3A_20 to %scan3A_22 step %scan3A_23  : i32 {
      %mul3A_32 = arith.constant 1 : i32
      %mul3A_33 = arith.muli %scan3A_31, %mul3A_32 : i32
      %add3A_34 = arith.constant 0 : i32
      %add3A_35 = arith.addi %add3A_34, %mul3A_33 : i32
      %mul3A_36 = arith.constant 128 : i32
      %mul3A_37 = arith.muli %add3A_35, %mul3A_36 : i32
      %dma_start3A = arith.constant 0 : i32
      %dma_start3A_38 = tpu.memref_slice %arg7[%mul3A_37, %dma_start3A] : memref<6912x16xf32, #tpu.memory_space<vmem>> -> memref<128x16xf32, #tpu.memory_space<vmem>>
      %dma_start3A_39 = arith.constant 0 : i32
      %dma_start3A_40 = tpu.memref_slice %arg6[%add3A_35, %dma_start3A_39] : memref<54x128xi32, #tpu.memory_space<vmem>> -> memref<1x128xi32, #tpu.memory_space<vmem>>
      %dma_start3A_41 = tpu.memref_squeeze %dma_start3A_40 : memref<1x128xi32, #tpu.memory_space<vmem>> -> memref<128xi32, #tpu.memory_space<vmem>>
      %dma_start3A_42 = arith.constant 0 : i32
      %dma_start3A_43 = arith.constant 0 : i32
      %dma_start3A_44 = tpu.memref_slice %arg3[%dma_start3A_42, %dma_start3A_43] : memref<221184x16xf32, #tpu.memory_space<hbm>> -> memref<221184x16xf32, #tpu.memory_space<hbm>>
      tpu.enqueue_indirect_dma source(%dma_start3A_44 : memref<221184x16xf32, #tpu.memory_space<hbm>>) target(%dma_start3A_38 : memref<128x16xf32, #tpu.memory_space<vmem>>) offsets(%dma_start3A_41 : memref<128xi32, #tpu.memory_space<vmem>>) semaphore(%arg8 : memref<!tpu.dma_semaphore, #tpu.memory_space<semaphore_mem>>)
    }
    %scan3A_24 = arith.constant 54 : i32
    %dma_wait3A_25 = arith.constant 0 : i32
    %dma_wait3A_26 = arith.constant 0 : i32
    %dma_wait3A_27 = tpu.memref_slice %arg3[%dma_wait3A_25, %dma_wait3A_26] : memref<221184x16xf32, #tpu.memory_space<hbm>> -> memref<6912x16xf32, #tpu.memory_space<hbm>>
    %dma_wait3A_28 = arith.constant 0 : i32
    %dma_wait3A_29 = arith.constant 0 : i32
    %dma_wait3A_30 = tpu.memref_slice %arg3[%dma_wait3A_28, %dma_wait3A_29] : memref<221184x16xf32, #tpu.memory_space<hbm>> -> memref<6912x16xf32, #tpu.memory_space<hbm>>
    tpu.wait_dma2 semaphore(%arg8 : memref<!tpu.dma_semaphore, #tpu.memory_space<semaphore_mem>>) src(%dma_wait3A_30 : memref<6912x16xf32, #tpu.memory_space<hbm>>) dst(%arg7 : memref<6912x16xf32, #tpu.memory_space<vmem>>)
    "tpu.region"() ({
      %run_scoped3A = tpu.sem_alloc : memref<!tpu.dma_semaphore, #tpu.memory_space<semaphore_mem>>
      %dma_start3A = arith.constant 0 : i32
      %dma_start3A_31 = tpu.memref_slice %arg5[%mul3A_2, %dma_start3A] : memref<221184x16xf32, #tpu.memory_space<hbm>> -> memref<6912x16xf32, #tpu.memory_space<hbm>>
      %dma_start3A_32 = arith.constant 0 : i32
      %dma_start3A_33 = tpu.memref_slice %arg5[%mul3A_2, %dma_start3A_32] : memref<221184x16xf32, #tpu.memory_space<hbm>> -> memref<6912x16xf32, #tpu.memory_space<hbm>>
      tpu.enqueue_dma source(%arg7 : memref<6912x16xf32, #tpu.memory_space<vmem>>) target(%dma_start3A_33 : memref<6912x16xf32, #tpu.memory_space<hbm>>) target_semaphore(%run_scoped3A : memref<!tpu.dma_semaphore, #tpu.memory_space<semaphore_mem>>)
      %dma_wait3A_34 = arith.constant 0 : i32
      %dma_wait3A_35 = tpu.memref_slice %arg5[%mul3A_2, %dma_wait3A_34] : memref<221184x16xf32, #tpu.memory_space<hbm>> -> memref<6912x16xf32, #tpu.memory_space<hbm>>
      %dma_wait3A_36 = arith.constant 0 : i32
      %dma_wait3A_37 = tpu.memref_slice %arg5[%mul3A_2, %dma_wait3A_36] : memref<221184x16xf32, #tpu.memory_space<hbm>> -> memref<6912x16xf32, #tpu.memory_space<hbm>>
      tpu.wait_dma2 semaphore(%run_scoped3A : memref<!tpu.dma_semaphore, #tpu.memory_space<semaphore_mem>>) src(%arg7 : memref<6912x16xf32, #tpu.memory_space<vmem>>) dst(%dma_wait3A_37 : memref<6912x16xf32, #tpu.memory_space<hbm>>)
      tpu.yield
    }) : () -> ()
    return
  }
}

module attributes {stable_mosaic.version = 14 : i64} {
  func.func @_tc_cost_body(%arg0: i32, %arg1: memref<576x8x128xf32, #tpu.memory_space<vmem>>, %arg2: memref<576x8x128xf32, #tpu.memory_space<vmem>>, %arg3: memref<24x24x16x24xi32, #tpu.memory_space<vmem>>, %arg4: memref<576x576xf32, #tpu.memory_space<vmem>>, %arg5: memref<1x576xf32, #tpu.memory_space<vmem>>) attributes {dimension_semantics = [#tpu.dimension_semantics<arbitrary>], iteration_bounds = array<i64: 6>, scalar_prefetch = 0 : i64, scratch_operands = 2 : i64, tpu.core_type = #tpu.core_type<tc>, window_params = [{transform_indices = @transform_0, window_bounds = array<i64: 576, 8, 128>}, {transform_indices = @transform_1, window_bounds = array<i64: 576, 8, 128>}, {pipeline_mode = #tpu.pipeline_mode<synchronous>, transform_indices = @transform_2, window_bounds = array<i64: 24, 24, 16, 24>}]} {
    %eq3A = arith.constant 0 : i32
    %eq3A_0 = arith.cmpi eq, %arg0, %eq3A : i32
    %convert_element_type3A = arith.extui %eq3A_0 : i1 to i32
    %cond3A = arith.constant 0 : i32
    %cond3A_1 = arith.cmpi ne, %convert_element_type3A, %cond3A : i32
    scf.if %cond3A_1 {
      %broadcast_in_dim3A_175 = arith.constant 0.000000e+00 : f32
      %broadcast_in_dim3A_176 = vector.broadcast %broadcast_in_dim3A_175 : f32 to vector<576x576xf32>
      %swap3A_177 = arith.constant 0 : index
      %swap3A_178 = arith.constant 0 : index
      %swap3A_179 = vector.load %arg4[%swap3A_177, %swap3A_178] : memref<576x576xf32, #tpu.memory_space<vmem>>, vector<576x576xf32>
      tpu.vector_store %arg4[%swap3A_177, %swap3A_178], %broadcast_in_dim3A_176 {strides = array<i32>} : memref<576x576xf32, #tpu.memory_space<vmem>>, vector<576x576xf32>,
      %broadcast_in_dim3A_180 = arith.constant 0.000000e+00 : f32
      %broadcast_in_dim3A_181 = vector.broadcast %broadcast_in_dim3A_180 : f32 to vector<1x576xf32>
      %swap3A_182 = arith.constant 0 : index
      %swap3A_183 = arith.constant 0 : index
      %swap3A_184 = vector.load %arg5[%swap3A_182, %swap3A_183] : memref<1x576xf32, #tpu.memory_space<vmem>>, vector<1x576xf32>
      tpu.vector_store %arg5[%swap3A_182, %swap3A_183], %broadcast_in_dim3A_181 {strides = array<i32>} : memref<1x576xf32, #tpu.memory_space<vmem>>, vector<1x576xf32>,
    } else {
    }
    %get3A = arith.constant 0 : index
    %get3A_2 = arith.constant 0 : index
    %get3A_3 = arith.constant 0 : index
    %get3A_4 = vector.load %arg1[%get3A, %get3A_2, %get3A_3] : memref<576x8x128xf32, #tpu.memory_space<vmem>>, vector<576x1x128xf32>
    %get3A_5 = vector.shape_cast %get3A_4 : vector<576x1x128xf32> to vector<576x128xf32>
    %get3A_6 = arith.constant 0 : index
    %get3A_7 = arith.constant 0 : index
    %get3A_8 = arith.constant 0 : index
    %get3A_9 = vector.load %arg2[%get3A_6, %get3A_7, %get3A_8] : memref<576x8x128xf32, #tpu.memory_space<vmem>>, vector<576x1x128xf32>
    %get3A_10 = vector.shape_cast %get3A_9 : vector<576x1x128xf32> to vector<576x128xf32>
    %dot_general3A = arith.constant dense<0.000000e+00> : vector<576x576xf32>
    %dot_general3A_11 = tpu.matmul %get3A_5, %get3A_10, %dot_general3A {dimension_numbers = #tpu.dot_dimension_numbers<[1], [1], [0], [0], [0, 0, 1, 0], [], []>, precision = #tpu.contract_precision<fp32>, transpose_lhs_hint = false} : vector<576x128xf32>, vector<576x128xf32>, vector<576x576xf32> -> vector<576x576xf32>
    %broadcast_in_dim3A = arith.constant 1.000000e+00 : f32
    %broadcast_in_dim3A_12 = vector.broadcast %broadcast_in_dim3A : f32 to vector<1x128xf32>
    %get3A_13 = arith.constant 0 : index
    %get3A_14 = arith.constant 0 : index
    %get3A_15 = arith.constant 0 : index
    %get3A_16 = vector.load %arg2[%get3A_13, %get3A_14, %get3A_15] : memref<576x8x128xf32, #tpu.memory_space<vmem>>, vector<576x1x128xf32>
    %get3A_17 = vector.shape_cast %get3A_16 : vector<576x1x128xf32> to vector<576x128xf32>
    %get3A_18 = arith.constant 0 : index
    %get3A_19 = arith.constant 0 : index
    %get3A_20 = arith.constant 0 : index
    %get3A_21 = vector.load %arg2[%get3A_18, %get3A_19, %get3A_20] : memref<576x8x128xf32, #tpu.memory_space<vmem>>, vector<576x1x128xf32>
    %get3A_22 = vector.shape_cast %get3A_21 : vector<576x1x128xf32> to vector<576x128xf32>
    %mul3A = arith.mulf %get3A_17, %get3A_22 : vector<576x128xf32>
    %dot_general3A_23 = arith.constant dense<0.000000e+00> : vector<1x576xf32>
    %dot_general3A_24 = tpu.matmul %broadcast_in_dim3A_12, %mul3A, %dot_general3A_23 {dimension_numbers = #tpu.dot_dimension_numbers<[1], [1], [0], [0], [0, 0, 1, 0], [], []>, precision = #tpu.contract_precision<fp32>, transpose_lhs_hint = false} : vector<1x128xf32>, vector<576x128xf32>, vector<1x576xf32> -> vector<1x576xf32>
    %get3A_25 = arith.constant 0 : index
    %get3A_26 = arith.constant 1 : index
    %get3A_27 = arith.constant 0 : index
    %get3A_28 = vector.load %arg2[%get3A_25, %get3A_26, %get3A_27] : memref<576x8x128xf32, #tpu.memory_space<vmem>>, vector<576x1x128xf32>
    %get3A_29 = vector.shape_cast %get3A_28 : vector<576x1x128xf32> to vector<576x128xf32>
    %get3A_30 = arith.constant 0 : index
    %get3A_31 = arith.constant 1 : index
    %get3A_32 = arith.constant 0 : index
    %get3A_33 = vector.load %arg1[%get3A_30, %get3A_31, %get3A_32] : memref<576x8x128xf32, #tpu.memory_space<vmem>>, vector<576x1x128xf32>
    %get3A_34 = vector.shape_cast %get3A_33 : vector<576x1x128xf32> to vector<576x128xf32>
    %dot_general3A_35 = arith.constant dense<0.000000e+00> : vector<576x576xf32>
    %dot_general3A_36 = tpu.matmul %get3A_34, %get3A_29, %dot_general3A_35 {dimension_numbers = #tpu.dot_dimension_numbers<[1], [1], [0], [0], [0, 0, 1, 0], [], []>, precision = #tpu.contract_precision<fp32>, transpose_lhs_hint = false} : vector<576x128xf32>, vector<576x128xf32>, vector<576x576xf32> -> vector<576x576xf32>
    %add3A = arith.addf %dot_general3A_11, %dot_general3A_36 : vector<576x576xf32>
    %broadcast_in_dim3A_37 = arith.constant 1.000000e+00 : f32
    %broadcast_in_dim3A_38 = vector.broadcast %broadcast_in_dim3A_37 : f32 to vector<1x128xf32>
    %mul3A_39 = arith.mulf %get3A_29, %get3A_29 : vector<576x128xf32>
    %dot_general3A_40 = arith.constant dense<0.000000e+00> : vector<1x576xf32>
    %dot_general3A_41 = tpu.matmul %broadcast_in_dim3A_38, %mul3A_39, %dot_general3A_40 {dimension_numbers = #tpu.dot_dimension_numbers<[1], [1], [0], [0], [0, 0, 1, 0], [], []>, precision = #tpu.contract_precision<fp32>, transpose_lhs_hint = false} : vector<1x128xf32>, vector<576x128xf32>, vector<1x576xf32> -> vector<1x576xf32>
    %add3A_42 = arith.addf %dot_general3A_24, %dot_general3A_41 : vector<1x576xf32>
    %get3A_43 = arith.constant 0 : index
    %get3A_44 = arith.constant 2 : index
    %get3A_45 = arith.constant 0 : index
    %get3A_46 = vector.load %arg2[%get3A_43, %get3A_44, %get3A_45] : memref<576x8x128xf32, #tpu.memory_space<vmem>>, vector<576x1x128xf32>
    %get3A_47 = vector.shape_cast %get3A_46 : vector<576x1x128xf32> to vector<576x128xf32>
    %get3A_48 = arith.constant 0 : index
    %get3A_49 = arith.constant 2 : index
    %get3A_50 = arith.constant 0 : index
    %get3A_51 = vector.load %arg1[%get3A_48, %get3A_49, %get3A_50] : memref<576x8x128xf32, #tpu.memory_space<vmem>>, vector<576x1x128xf32>
    %get3A_52 = vector.shape_cast %get3A_51 : vector<576x1x128xf32> to vector<576x128xf32>
    %dot_general3A_53 = arith.constant dense<0.000000e+00> : vector<576x576xf32>
    %dot_general3A_54 = tpu.matmul %get3A_52, %get3A_47, %dot_general3A_53 {dimension_numbers = #tpu.dot_dimension_numbers<[1], [1], [0], [0], [0, 0, 1, 0], [], []>, precision = #tpu.contract_precision<fp32>, transpose_lhs_hint = false} : vector<576x128xf32>, vector<576x128xf32>, vector<576x576xf32> -> vector<576x576xf32>
    %add3A_55 = arith.addf %add3A, %dot_general3A_54 : vector<576x576xf32>
    %broadcast_in_dim3A_56 = arith.constant 1.000000e+00 : f32
    %broadcast_in_dim3A_57 = vector.broadcast %broadcast_in_dim3A_56 : f32 to vector<1x128xf32>
    %mul3A_58 = arith.mulf %get3A_47, %get3A_47 : vector<576x128xf32>
    %dot_general3A_59 = arith.constant dense<0.000000e+00> : vector<1x576xf32>
    %dot_general3A_60 = tpu.matmul %broadcast_in_dim3A_57, %mul3A_58, %dot_general3A_59 {dimension_numbers = #tpu.dot_dimension_numbers<[1], [1], [0], [0], [0, 0, 1, 0], [], []>, precision = #tpu.contract_precision<fp32>, transpose_lhs_hint = false} : vector<1x128xf32>, vector<576x128xf32>, vector<1x576xf32> -> vector<1x576xf32>
    %add3A_61 = arith.addf %add3A_42, %dot_general3A_60 : vector<1x576xf32>
    %get3A_62 = arith.constant 0 : index
    %get3A_63 = arith.constant 3 : index
    %get3A_64 = arith.constant 0 : index
    %get3A_65 = vector.load %arg2[%get3A_62, %get3A_63, %get3A_64] : memref<576x8x128xf32, #tpu.memory_space<vmem>>, vector<576x1x128xf32>
    %get3A_66 = vector.shape_cast %get3A_65 : vector<576x1x128xf32> to vector<576x128xf32>
    %get3A_67 = arith.constant 0 : index
    %get3A_68 = arith.constant 3 : index
    %get3A_69 = arith.constant 0 : index
    %get3A_70 = vector.load %arg1[%get3A_67, %get3A_68, %get3A_69] : memref<576x8x128xf32, #tpu.memory_space<vmem>>, vector<576x1x128xf32>
    %get3A_71 = vector.shape_cast %get3A_70 : vector<576x1x128xf32> to vector<576x128xf32>
    %dot_general3A_72 = arith.constant dense<0.000000e+00> : vector<576x576xf32>
    %dot_general3A_73 = tpu.matmul %get3A_71, %get3A_66, %dot_general3A_72 {dimension_numbers = #tpu.dot_dimension_numbers<[1], [1], [0], [0], [0, 0, 1, 0], [], []>, precision = #tpu.contract_precision<fp32>, transpose_lhs_hint = false} : vector<576x128xf32>, vector<576x128xf32>, vector<576x576xf32> -> vector<576x576xf32>
    %add3A_74 = arith.addf %add3A_55, %dot_general3A_73 : vector<576x576xf32>
    %broadcast_in_dim3A_75 = arith.constant 1.000000e+00 : f32
    %broadcast_in_dim3A_76 = vector.broadcast %broadcast_in_dim3A_75 : f32 to vector<1x128xf32>
    %mul3A_77 = arith.mulf %get3A_66, %get3A_66 : vector<576x128xf32>
    %dot_general3A_78 = arith.constant dense<0.000000e+00> : vector<1x576xf32>
    %dot_general3A_79 = tpu.matmul %broadcast_in_dim3A_76, %mul3A_77, %dot_general3A_78 {dimension_numbers = #tpu.dot_dimension_numbers<[1], [1], [0], [0], [0, 0, 1, 0], [], []>, precision = #tpu.contract_precision<fp32>, transpose_lhs_hint = false} : vector<1x128xf32>, vector<576x128xf32>, vector<1x576xf32> -> vector<1x576xf32>
    %add3A_80 = arith.addf %add3A_61, %dot_general3A_79 : vector<1x576xf32>
    %get3A_81 = arith.constant 0 : index
    %get3A_82 = arith.constant 4 : index
    %get3A_83 = arith.constant 0 : index
    %get3A_84 = vector.load %arg2[%get3A_81, %get3A_82, %get3A_83] : memref<576x8x128xf32, #tpu.memory_space<vmem>>, vector<576x1x128xf32>
    %get3A_85 = vector.shape_cast %get3A_84 : vector<576x1x128xf32> to vector<576x128xf32>
    %get3A_86 = arith.constant 0 : index
    %get3A_87 = arith.constant 4 : index
    %get3A_88 = arith.constant 0 : index
    %get3A_89 = vector.load %arg1[%get3A_86, %get3A_87, %get3A_88] : memref<576x8x128xf32, #tpu.memory_space<vmem>>, vector<576x1x128xf32>
    %get3A_90 = vector.shape_cast %get3A_89 : vector<576x1x128xf32> to vector<576x128xf32>
    %dot_general3A_91 = arith.constant dense<0.000000e+00> : vector<576x576xf32>
    %dot_general3A_92 = tpu.matmul %get3A_90, %get3A_85, %dot_general3A_91 {dimension_numbers = #tpu.dot_dimension_numbers<[1], [1], [0], [0], [0, 0, 1, 0], [], []>, precision = #tpu.contract_precision<fp32>, transpose_lhs_hint = false} : vector<576x128xf32>, vector<576x128xf32>, vector<576x576xf32> -> vector<576x576xf32>
    %add3A_93 = arith.addf %add3A_74, %dot_general3A_92 : vector<576x576xf32>
    %broadcast_in_dim3A_94 = arith.constant 1.000000e+00 : f32
    %broadcast_in_dim3A_95 = vector.broadcast %broadcast_in_dim3A_94 : f32 to vector<1x128xf32>
    %mul3A_96 = arith.mulf %get3A_85, %get3A_85 : vector<576x128xf32>
    %dot_general3A_97 = arith.constant dense<0.000000e+00> : vector<1x576xf32>
    %dot_general3A_98 = tpu.matmul %broadcast_in_dim3A_95, %mul3A_96, %dot_general3A_97 {dimension_numbers = #tpu.dot_dimension_numbers<[1], [1], [0], [0], [0, 0, 1, 0], [], []>, precision = #tpu.contract_precision<fp32>, transpose_lhs_hint = false} : vector<1x128xf32>, vector<576x128xf32>, vector<1x576xf32> -> vector<1x576xf32>
    %add3A_99 = arith.addf %add3A_80, %dot_general3A_98 : vector<1x576xf32>
    %get3A_100 = arith.constant 0 : index
    %get3A_101 = arith.constant 5 : index
    %get3A_102 = arith.constant 0 : index
    %get3A_103 = vector.load %arg2[%get3A_100, %get3A_101, %get3A_102] : memref<576x8x128xf32, #tpu.memory_space<vmem>>, vector<576x1x128xf32>
    %get3A_104 = vector.shape_cast %get3A_103 : vector<576x1x128xf32> to vector<576x128xf32>
    %get3A_105 = arith.constant 0 : index
    %get3A_106 = arith.constant 5 : index
    %get3A_107 = arith.constant 0 : index
    %get3A_108 = vector.load %arg1[%get3A_105, %get3A_106, %get3A_107] : memref<576x8x128xf32, #tpu.memory_space<vmem>>, vector<576x1x128xf32>
    %get3A_109 = vector.shape_cast %get3A_108 : vector<576x1x128xf32> to vector<576x128xf32>
    %dot_general3A_110 = arith.constant dense<0.000000e+00> : vector<576x576xf32>
    %dot_general3A_111 = tpu.matmul %get3A_109, %get3A_104, %dot_general3A_110 {dimension_numbers = #tpu.dot_dimension_numbers<[1], [1], [0], [0], [0, 0, 1, 0], [], []>, precision = #tpu.contract_precision<fp32>, transpose_lhs_hint = false} : vector<576x128xf32>, vector<576x128xf32>, vector<576x576xf32> -> vector<576x576xf32>
    %add3A_112 = arith.addf %add3A_93, %dot_general3A_111 : vector<576x576xf32>
    %broadcast_in_dim3A_113 = arith.constant 1.000000e+00 : f32
    %broadcast_in_dim3A_114 = vector.broadcast %broadcast_in_dim3A_113 : f32 to vector<1x128xf32>
    %mul3A_115 = arith.mulf %get3A_104, %get3A_104 : vector<576x128xf32>
    %dot_general3A_116 = arith.constant dense<0.000000e+00> : vector<1x576xf32>
    %dot_general3A_117 = tpu.matmul %broadcast_in_dim3A_114, %mul3A_115, %dot_general3A_116 {dimension_numbers = #tpu.dot_dimension_numbers<[1], [1], [0], [0], [0, 0, 1, 0], [], []>, precision = #tpu.contract_precision<fp32>, transpose_lhs_hint = false} : vector<1x128xf32>, vector<576x128xf32>, vector<1x576xf32> -> vector<1x576xf32>
    %add3A_118 = arith.addf %add3A_99, %dot_general3A_117 : vector<1x576xf32>
    %get3A_119 = arith.constant 0 : index
    %get3A_120 = arith.constant 6 : index
    %get3A_121 = arith.constant 0 : index
    %get3A_122 = vector.load %arg2[%get3A_119, %get3A_120, %get3A_121] : memref<576x8x128xf32, #tpu.memory_space<vmem>>, vector<576x1x128xf32>
    %get3A_123 = vector.shape_cast %get3A_122 : vector<576x1x128xf32> to vector<576x128xf32>
    %get3A_124 = arith.constant 0 : index
    %get3A_125 = arith.constant 6 : index
    %get3A_126 = arith.constant 0 : index
    %get3A_127 = vector.load %arg1[%get3A_124, %get3A_125, %get3A_126] : memref<576x8x128xf32, #tpu.memory_space<vmem>>, vector<576x1x128xf32>
    %get3A_128 = vector.shape_cast %get3A_127 : vector<576x1x128xf32> to vector<576x128xf32>
    %dot_general3A_129 = arith.constant dense<0.000000e+00> : vector<576x576xf32>
    %dot_general3A_130 = tpu.matmul %get3A_128, %get3A_123, %dot_general3A_129 {dimension_numbers = #tpu.dot_dimension_numbers<[1], [1], [0], [0], [0, 0, 1, 0], [], []>, precision = #tpu.contract_precision<fp32>, transpose_lhs_hint = false} : vector<576x128xf32>, vector<576x128xf32>, vector<576x576xf32> -> vector<576x576xf32>
    %add3A_131 = arith.addf %add3A_112, %dot_general3A_130 : vector<576x576xf32>
    %broadcast_in_dim3A_132 = arith.constant 1.000000e+00 : f32
    %broadcast_in_dim3A_133 = vector.broadcast %broadcast_in_dim3A_132 : f32 to vector<1x128xf32>
    %mul3A_134 = arith.mulf %get3A_123, %get3A_123 : vector<576x128xf32>
    %dot_general3A_135 = arith.constant dense<0.000000e+00> : vector<1x576xf32>
    %dot_general3A_136 = tpu.matmul %broadcast_in_dim3A_133, %mul3A_134, %dot_general3A_135 {dimension_numbers = #tpu.dot_dimension_numbers<[1], [1], [0], [0], [0, 0, 1, 0], [], []>, precision = #tpu.contract_precision<fp32>, transpose_lhs_hint = false} : vector<1x128xf32>, vector<576x128xf32>, vector<1x576xf32> -> vector<1x576xf32>
    %add3A_137 = arith.addf %add3A_118, %dot_general3A_136 : vector<1x576xf32>
    %get3A_138 = arith.constant 0 : index
    %get3A_139 = arith.constant 7 : index
    %get3A_140 = arith.constant 0 : index
    %get3A_141 = vector.load %arg2[%get3A_138, %get3A_139, %get3A_140] : memref<576x8x128xf32, #tpu.memory_space<vmem>>, vector<576x1x128xf32>
    %get3A_142 = vector.shape_cast %get3A_141 : vector<576x1x128xf32> to vector<576x128xf32>
    %get3A_143 = arith.constant 0 : index
    %get3A_144 = arith.constant 7 : index
    %get3A_145 = arith.constant 0 : index
    %get3A_146 = vector.load %arg1[%get3A_143, %get3A_144, %get3A_145] : memref<576x8x128xf32, #tpu.memory_space<vmem>>, vector<576x1x128xf32>
    %get3A_147 = vector.shape_cast %get3A_146 : vector<576x1x128xf32> to vector<576x128xf32>
    %dot_general3A_148 = arith.constant dense<0.000000e+00> : vector<576x576xf32>
    %dot_general3A_149 = tpu.matmul %get3A_147, %get3A_142, %dot_general3A_148 {dimension_numbers = #tpu.dot_dimension_numbers<[1], [1], [0], [0], [0, 0, 1, 0], [], []>, precision = #tpu.contract_precision<fp32>, transpose_lhs_hint = false} : vector<576x128xf32>, vector<576x128xf32>, vector<576x576xf32> -> vector<576x576xf32>
    %add3A_150 = arith.addf %add3A_131, %dot_general3A_149 : vector<576x576xf32>
    %broadcast_in_dim3A_151 = arith.constant 1.000000e+00 : f32
    %broadcast_in_dim3A_152 = vector.broadcast %broadcast_in_dim3A_151 : f32 to vector<1x128xf32>
    %mul3A_153 = arith.mulf %get3A_142, %get3A_142 : vector<576x128xf32>
    %dot_general3A_154 = arith.constant dense<0.000000e+00> : vector<1x576xf32>
    %dot_general3A_155 = tpu.matmul %broadcast_in_dim3A_152, %mul3A_153, %dot_general3A_154 {dimension_numbers = #tpu.dot_dimension_numbers<[1], [1], [0], [0], [0, 0, 1, 0], [], []>, precision = #tpu.contract_precision<fp32>, transpose_lhs_hint = false} : vector<1x128xf32>, vector<576x128xf32>, vector<1x576xf32> -> vector<1x576xf32>
    %add3A_156 = arith.addf %add3A_137, %dot_general3A_155 : vector<1x576xf32>
    %get3A_157 = arith.constant 0 : index
    %get3A_158 = arith.constant 0 : index
    %get3A_159 = vector.load %arg4[%get3A_157, %get3A_158] : memref<576x576xf32, #tpu.memory_space<vmem>>, vector<576x576xf32>
    %add3A_160 = arith.addf %get3A_159, %add3A_150 : vector<576x576xf32>
    %swap3A = arith.constant 0 : index
    %swap3A_161 = arith.constant 0 : index
    %swap3A_162 = vector.load %arg4[%swap3A, %swap3A_161] : memref<576x576xf32, #tpu.memory_space<vmem>>, vector<576x576xf32>
    tpu.vector_store %arg4[%swap3A, %swap3A_161], %add3A_160 {strides = array<i32>} : memref<576x576xf32, #tpu.memory_space<vmem>>, vector<576x576xf32>,
    %get3A_163 = arith.constant 0 : index
    %get3A_164 = arith.constant 0 : index
    %get3A_165 = vector.load %arg5[%get3A_163, %get3A_164] : memref<1x576xf32, #tpu.memory_space<vmem>>, vector<1x576xf32>
    %add3A_166 = arith.addf %get3A_165, %add3A_156 : vector<1x576xf32>
    %swap3A_167 = arith.constant 0 : index
    %swap3A_168 = arith.constant 0 : index
    %swap3A_169 = vector.load %arg5[%swap3A_167, %swap3A_168] : memref<1x576xf32, #tpu.memory_space<vmem>>, vector<1x576xf32>
    tpu.vector_store %arg5[%swap3A_167, %swap3A_168], %add3A_166 {strides = array<i32>} : memref<1x576xf32, #tpu.memory_space<vmem>>, vector<1x576xf32>,
    %eq3A_170 = arith.constant 5 : i32
    %eq3A_171 = arith.cmpi eq, %arg0, %eq3A_170 : i32
    %convert_element_type3A_172 = arith.extui %eq3A_171 : i1 to i32
    %cond3A_173 = arith.constant 0 : i32
    %cond3A_174 = arith.cmpi ne, %convert_element_type3A_172, %cond3A_173 : i32
    scf.if %cond3A_174 {
      %get3A_175 = arith.constant 0 : index
      %get3A_176 = arith.constant 0 : index
      %get3A_177 = vector.load %arg4[%get3A_175, %get3A_176] : memref<576x576xf32, #tpu.memory_space<vmem>>, vector<576x576xf32>
      %get3A_178 = arith.constant 0 : index
      %get3A_179 = arith.constant 0 : index
      %get3A_180 = vector.load %arg5[%get3A_178, %get3A_179] : memref<1x576xf32, #tpu.memory_space<vmem>>, vector<1x576xf32>
      %iota3A = tpu.iota {dimensions = array<i32: 0>} : vector<576x576xi32>
      %iota3A_181 = tpu.iota {dimensions = array<i32: 1>} : vector<576x576xi32>
      %sub3A = arith.subi %iota3A_181, %iota3A : vector<576x576xi32>
      %add3A_182 = arith.constant 12 : i32
      %add3A_183 = vector.broadcast %add3A_182 : i32 to vector<576x576xi32>
      %add3A_184 = arith.addi %sub3A, %add3A_183 : vector<576x576xi32>
      %jit3A = arith.constant 24 : i32
      %div3A = vector.broadcast %jit3A : i32 to vector<576x576xi32>
      %div3A_185 = arith.divsi %add3A_184, %div3A : vector<576x576xi32>
      %sign3A = arith.constant 0 : i32
      %sign3A_186 = vector.broadcast %sign3A : i32 to vector<576x576xi32>
      %sign3A_187 = arith.cmpi sgt, %add3A_184, %sign3A_186 : vector<576x576xi32>
      %sign3A_188 = arith.extui %sign3A_187 : vector<576x576xi1> to vector<576x576xi32>
      %sign3A_189 = arith.constant 0 : i32
      %sign3A_190 = vector.broadcast %sign3A_189 : i32 to vector<576x576xi32>
      %sign3A_191 = arith.cmpi slt, %add3A_184, %sign3A_190 : vector<576x576xi32>
      %sign3A_192 = arith.extui %sign3A_191 : vector<576x576xi1> to vector<576x576xi32>
      %sign3A_193 = arith.subi %sign3A_188, %sign3A_192 : vector<576x576xi32>
      %sign3A_194 = arith.constant 0 : i32
      %sign3A_195 = arith.cmpi sgt, %jit3A, %sign3A_194 : i32
      %sign3A_196 = arith.extui %sign3A_195 : i1 to i32
      %sign3A_197 = arith.constant 0 : i32
      %sign3A_198 = arith.cmpi slt, %jit3A, %sign3A_197 : i32
      %sign3A_199 = arith.extui %sign3A_198 : i1 to i32
      %sign3A_200 = arith.subi %sign3A_196, %sign3A_199 : i32
      %ne3A = vector.broadcast %sign3A_200 : i32 to vector<576x576xi32>
      %ne3A_201 = arith.cmpi ne, %sign3A_193, %ne3A : vector<576x576xi32>
      %rem3A = vector.broadcast %jit3A : i32 to vector<576x576xi32>
      %rem3A_202 = arith.remsi %add3A_184, %rem3A : vector<576x576xi32>
      %ne3A_203 = arith.constant 0 : i32
      %ne3A_204 = vector.broadcast %ne3A_203 : i32 to vector<576x576xi32>
      %ne3A_205 = arith.cmpi ne, %rem3A_202, %ne3A_204 : vector<576x576xi32>
      %and3A = arith.andi %ne3A_201, %ne3A_205 : vector<576x576xi1>
      %sub3A_206 = arith.constant 1 : i32
      %sub3A_207 = vector.broadcast %sub3A_206 : i32 to vector<576x576xi32>
      %sub3A_208 = arith.subi %div3A_185, %sub3A_207 : vector<576x576xi32>
      %select_n3A = arith.select %and3A, %sub3A_208, %div3A_185 : vector<576x576xi1>, vector<576x576xi32>
      %mul3A_209 = arith.constant 24 : i32
      %mul3A_210 = vector.broadcast %mul3A_209 : i32 to vector<576x576xi32>
      %mul3A_211 = arith.muli %mul3A_210, %select_n3A : vector<576x576xi32>
      %sub3A_212 = arith.subi %sub3A, %mul3A_211 : vector<576x576xi32>
      %jit3A_213 = arith.constant 24 : i32
      %div3A_214 = vector.broadcast %jit3A_213 : i32 to vector<576x576xi32>
      %div3A_215 = arith.divsi %iota3A, %div3A_214 : vector<576x576xi32>
      %sign3A_216 = arith.constant 0 : i32
      %sign3A_217 = vector.broadcast %sign3A_216 : i32 to vector<576x576xi32>
      %sign3A_218 = arith.cmpi sgt, %iota3A, %sign3A_217 : vector<576x576xi32>
      %sign3A_219 = arith.extui %sign3A_218 : vector<576x576xi1> to vector<576x576xi32>
      %sign3A_220 = arith.constant 0 : i32
      %sign3A_221 = vector.broadcast %sign3A_220 : i32 to vector<576x576xi32>
      %sign3A_222 = arith.cmpi slt, %iota3A, %sign3A_221 : vector<576x576xi32>
      %sign3A_223 = arith.extui %sign3A_222 : vector<576x576xi1> to vector<576x576xi32>
      %sign3A_224 = arith.subi %sign3A_219, %sign3A_223 : vector<576x576xi32>
      %sign3A_225 = arith.constant 0 : i32
      %sign3A_226 = arith.cmpi sgt, %jit3A_213, %sign3A_225 : i32
      %sign3A_227 = arith.extui %sign3A_226 : i1 to i32
      %sign3A_228 = arith.constant 0 : i32
      %sign3A_229 = arith.cmpi slt, %jit3A_213, %sign3A_228 : i32
      %sign3A_230 = arith.extui %sign3A_229 : i1 to i32
      %sign3A_231 = arith.subi %sign3A_227, %sign3A_230 : i32
      %ne3A_232 = vector.broadcast %sign3A_231 : i32 to vector<576x576xi32>
      %ne3A_233 = arith.cmpi ne, %sign3A_224, %ne3A_232 : vector<576x576xi32>
      %rem3A_234 = vector.broadcast %jit3A_213 : i32 to vector<576x576xi32>
      %rem3A_235 = arith.remsi %iota3A, %rem3A_234 : vector<576x576xi32>
      %ne3A_236 = arith.constant 0 : i32
      %ne3A_237 = vector.broadcast %ne3A_236 : i32 to vector<576x576xi32>
      %ne3A_238 = arith.cmpi ne, %rem3A_235, %ne3A_237 : vector<576x576xi32>
      %and3A_239 = arith.andi %ne3A_233, %ne3A_238 : vector<576x576xi1>
      %sub3A_240 = arith.constant 1 : i32
      %sub3A_241 = vector.broadcast %sub3A_240 : i32 to vector<576x576xi32>
      %sub3A_242 = arith.subi %div3A_215, %sub3A_241 : vector<576x576xi32>
      %select_n3A_243 = arith.select %and3A_239, %sub3A_242, %div3A_215 : vector<576x576xi1>, vector<576x576xi32>
      %jit3A_244 = arith.constant 24 : i32
      %eq3A_245 = arith.constant 0 : i32
      %eq3A_246 = arith.cmpi eq, %jit3A_244, %eq3A_245 : i32
      %jit3A_247 = arith.constant 1 : i32
      %select_n3A_248 = arith.select %eq3A_246, %jit3A_247, %jit3A_244 : i32
      %rem3A_249 = vector.broadcast %select_n3A_248 : i32 to vector<576x576xi32>
      %rem3A_250 = arith.remsi %iota3A, %rem3A_249 : vector<576x576xi32>
      %ne3A_251 = arith.constant 0 : i32
      %ne3A_252 = vector.broadcast %ne3A_251 : i32 to vector<576x576xi32>
      %ne3A_253 = arith.cmpi ne, %rem3A_250, %ne3A_252 : vector<576x576xi32>
      %lt3A = arith.constant 0 : i32
      %lt3A_254 = vector.broadcast %lt3A : i32 to vector<576x576xi32>
      %lt3A_255 = arith.cmpi slt, %rem3A_250, %lt3A_254 : vector<576x576xi32>
      %lt3A_256 = arith.constant 0 : i32
      %lt3A_257 = arith.cmpi slt, %select_n3A_248, %lt3A_256 : i32
      %ne3A_258 = vector.broadcast %lt3A_257 : i1 to vector<576x576xi1>
      %ne3A_259 = vector.broadcast %ne3A_258 : vector<576x576xi1> to vector<576x576xi1>
      %ne3A_260 = arith.xori %lt3A_255, %ne3A_259 : vector<576x576xi1>
      %and3A_261 = arith.andi %ne3A_260, %ne3A_253 : vector<576x576xi1>
      %add3A_262 = vector.broadcast %select_n3A_248 : i32 to vector<576x576xi32>
      %add3A_263 = arith.addi %rem3A_250, %add3A_262 : vector<576x576xi32>
      %select_n3A_264 = arith.select %and3A_261, %add3A_263, %rem3A_250 : vector<576x576xi1>, vector<576x576xi32>
      %ge3A = arith.constant -3 : i32
      %ge3A_265 = vector.broadcast %ge3A : i32 to vector<576x576xi32>
      %ge3A_266 = arith.cmpi sge, %select_n3A, %ge3A_265 : vector<576x576xi32>
      %le3A = arith.constant 3 : i32
      %le3A_267 = vector.broadcast %le3A : i32 to vector<576x576xi32>
      %le3A_268 = arith.cmpi sle, %select_n3A, %le3A_267 : vector<576x576xi32>
      %and3A_269 = arith.andi %ge3A_266, %le3A_268 : vector<576x576xi1>
      %ge3A_270 = arith.constant -3 : i32
      %ge3A_271 = vector.broadcast %ge3A_270 : i32 to vector<576x576xi32>
      %ge3A_272 = arith.cmpi sge, %sub3A_212, %ge3A_271 : vector<576x576xi32>
      %and3A_273 = arith.andi %and3A_269, %ge3A_272 : vector<576x576xi1>
      %le3A_274 = arith.constant 3 : i32
      %le3A_275 = vector.broadcast %le3A_274 : i32 to vector<576x576xi32>
      %le3A_276 = arith.cmpi sle, %sub3A_212, %le3A_275 : vector<576x576xi32>
      %and3A_277 = arith.andi %and3A_273, %le3A_276 : vector<576x576xi1>
      %add3A_278 = arith.addi %select_n3A_243, %select_n3A : vector<576x576xi32>
      %ge3A_279 = arith.constant 0 : i32
      %ge3A_280 = vector.broadcast %ge3A_279 : i32 to vector<576x576xi32>
      %ge3A_281 = arith.cmpi sge, %add3A_278, %ge3A_280 : vector<576x576xi32>
      %and3A_282 = arith.andi %and3A_277, %ge3A_281 : vector<576x576xi1>
      %add3A_283 = arith.addi %select_n3A_243, %select_n3A : vector<576x576xi32>
      %lt3A_284 = arith.constant 24 : i32
      %lt3A_285 = vector.broadcast %lt3A_284 : i32 to vector<576x576xi32>
      %lt3A_286 = arith.cmpi slt, %add3A_283, %lt3A_285 : vector<576x576xi32>
      %and3A_287 = arith.andi %and3A_282, %lt3A_286 : vector<576x576xi1>
      %add3A_288 = arith.addi %select_n3A_264, %sub3A_212 : vector<576x576xi32>
      %ge3A_289 = arith.constant 0 : i32
      %ge3A_290 = vector.broadcast %ge3A_289 : i32 to vector<576x576xi32>
      %ge3A_291 = arith.cmpi sge, %add3A_288, %ge3A_290 : vector<576x576xi32>
      %and3A_292 = arith.andi %and3A_287, %ge3A_291 : vector<576x576xi1>
      %add3A_293 = arith.addi %select_n3A_264, %sub3A_212 : vector<576x576xi32>
      %lt3A_294 = arith.constant 24 : i32
      %lt3A_295 = vector.broadcast %lt3A_294 : i32 to vector<576x576xi32>
      %lt3A_296 = arith.cmpi slt, %add3A_293, %lt3A_295 : vector<576x576xi32>
      %and3A_297 = arith.andi %and3A_292, %lt3A_296 : vector<576x576xi1>
      %mul3A_298 = arith.constant 2.000000e+00 : f32
      %mul3A_299 = vector.broadcast %mul3A_298 : f32 to vector<576x576xf32>
      %mul3A_300 = arith.mulf %mul3A_299, %get3A_177 : vector<576x576xf32>
      %sub3A_301 = vector.broadcast %get3A_180 : vector<1x576xf32> to vector<576x576xf32>
      %sub3A_302 = arith.subf %sub3A_301, %mul3A_300 : vector<576x576xf32>
      %jit3A_303 = arith.constant 0x7F800000 : f32
      %broadcast_in_dim3A_304 = vector.broadcast %jit3A_303 : f32 to vector<576x576xf32>
      %select_n3A_305 = arith.select %and3A_297, %sub3A_302, %broadcast_in_dim3A_304 : vector<576x576xi1>, vector<576x576xf32>
      %reshape3A = vector.shape_cast %select_n3A_305 : vector<576x576xf32> to vector<24x24x576xf32>
      %iota3A_306 = tpu.iota {dimensions = array<i32: 2>} : vector<24x24x576xi32>
      %reduce_min3A = arith.constant dense<0x7F800000> : vector<24x24xf32>
      %reduce_min3A_307 = vector.multi_reduction <minimumf>, %reshape3A, %reduce_min3A [2] : vector<24x24x576xf32> to vector<24x24xf32>
      %broadcast_in_dim3A_308 = vector.shape_cast %reduce_min3A_307 : vector<24x24xf32> to vector<24x24x1xf32>
      %le3A_309 = vector.broadcast %broadcast_in_dim3A_308 : vector<24x24x1xf32> to vector<24x24x576xf32>
      %le3A_310 = arith.cmpf ole, %reshape3A, %le3A_309 : vector<24x24x576xf32>
      %jit3A_311 = arith.constant 1073741824 : i32
      %broadcast_in_dim3A_312 = vector.broadcast %jit3A_311 : i32 to vector<24x24x576xi32>
      %select_n3A_313 = arith.select %le3A_310, %iota3A_306, %broadcast_in_dim3A_312 : vector<24x24x576xi1>, vector<24x24x576xi32>
      %reduce_min3A_314 = arith.constant dense<2147483647> : vector<24x24xi32>
      %reduce_min3A_315 = vector.multi_reduction <minsi>, %select_n3A_313, %reduce_min3A_314 [2] : vector<24x24x576xi32> to vector<24x24xi32>
      %jit3A_316 = arith.constant 24 : i32
      %div3A_317 = vector.broadcast %jit3A_316 : i32 to vector<24x24xi32>
      %div3A_318 = arith.divsi %reduce_min3A_315, %div3A_317 : vector<24x24xi32>
      %sign3A_319 = arith.constant 0 : i32
      %sign3A_320 = vector.broadcast %sign3A_319 : i32 to vector<24x24xi32>
      %sign3A_321 = arith.cmpi sgt, %reduce_min3A_315, %sign3A_320 : vector<24x24xi32>
      %sign3A_322 = arith.extui %sign3A_321 : vector<24x24xi1> to vector<24x24xi32>
      %sign3A_323 = arith.constant 0 : i32
      %sign3A_324 = vector.broadcast %sign3A_323 : i32 to vector<24x24xi32>
      %sign3A_325 = arith.cmpi slt, %reduce_min3A_315, %sign3A_324 : vector<24x24xi32>
      %sign3A_326 = arith.extui %sign3A_325 : vector<24x24xi1> to vector<24x24xi32>
      %sign3A_327 = arith.subi %sign3A_322, %sign3A_326 : vector<24x24xi32>
      %sign3A_328 = arith.constant 0 : i32
      %sign3A_329 = arith.cmpi sgt, %jit3A_316, %sign3A_328 : i32
      %sign3A_330 = arith.extui %sign3A_329 : i1 to i32
      %sign3A_331 = arith.constant 0 : i32
      %sign3A_332 = arith.cmpi slt, %jit3A_316, %sign3A_331 : i32
      %sign3A_333 = arith.extui %sign3A_332 : i1 to i32
      %sign3A_334 = arith.subi %sign3A_330, %sign3A_333 : i32
      %ne3A_335 = vector.broadcast %sign3A_334 : i32 to vector<24x24xi32>
      %ne3A_336 = arith.cmpi ne, %sign3A_327, %ne3A_335 : vector<24x24xi32>
      %rem3A_337 = vector.broadcast %jit3A_316 : i32 to vector<24x24xi32>
      %rem3A_338 = arith.remsi %reduce_min3A_315, %rem3A_337 : vector<24x24xi32>
      %ne3A_339 = arith.constant 0 : i32
      %ne3A_340 = vector.broadcast %ne3A_339 : i32 to vector<24x24xi32>
      %ne3A_341 = arith.cmpi ne, %rem3A_338, %ne3A_340 : vector<24x24xi32>
      %and3A_342 = arith.andi %ne3A_336, %ne3A_341 : vector<24x24xi1>
      %sub3A_343 = arith.constant 1 : i32
      %sub3A_344 = vector.broadcast %sub3A_343 : i32 to vector<24x24xi32>
      %sub3A_345 = arith.subi %div3A_318, %sub3A_344 : vector<24x24xi32>
      %select_n3A_346 = arith.select %and3A_342, %sub3A_345, %div3A_318 : vector<24x24xi1>, vector<24x24xi32>
      %jit3A_347 = arith.constant 24 : i32
      %eq3A_348 = arith.constant 0 : i32
      %eq3A_349 = arith.cmpi eq, %jit3A_347, %eq3A_348 : i32
      %jit3A_350 = arith.constant 1 : i32
      %select_n3A_351 = arith.select %eq3A_349, %jit3A_350, %jit3A_347 : i32
      %rem3A_352 = vector.broadcast %select_n3A_351 : i32 to vector<24x24xi32>
      %rem3A_353 = arith.remsi %reduce_min3A_315, %rem3A_352 : vector<24x24xi32>
      %ne3A_354 = arith.constant 0 : i32
      %ne3A_355 = vector.broadcast %ne3A_354 : i32 to vector<24x24xi32>
      %ne3A_356 = arith.cmpi ne, %rem3A_353, %ne3A_355 : vector<24x24xi32>
      %lt3A_357 = arith.constant 0 : i32
      %lt3A_358 = vector.broadcast %lt3A_357 : i32 to vector<24x24xi32>
      %lt3A_359 = arith.cmpi slt, %rem3A_353, %lt3A_358 : vector<24x24xi32>
      %lt3A_360 = arith.constant 0 : i32
      %lt3A_361 = arith.cmpi slt, %select_n3A_351, %lt3A_360 : i32
      %ne3A_362 = vector.broadcast %lt3A_361 : i1 to vector<24x24xi1>
      %ne3A_363 = vector.broadcast %ne3A_362 : vector<24x24xi1> to vector<24x24xi1>
      %ne3A_364 = arith.xori %lt3A_359, %ne3A_363 : vector<24x24xi1>
      %and3A_365 = arith.andi %ne3A_364, %ne3A_356 : vector<24x24xi1>
      %add3A_366 = vector.broadcast %select_n3A_351 : i32 to vector<24x24xi32>
      %add3A_367 = arith.addi %rem3A_353, %add3A_366 : vector<24x24xi32>
      %select_n3A_368 = arith.select %and3A_365, %add3A_367, %rem3A_353 : vector<24x24xi1>, vector<24x24xi32>
      %mul3A_369 = arith.constant 384 : i32
      %mul3A_370 = vector.broadcast %mul3A_369 : i32 to vector<24x24xi32>
      %mul3A_371 = arith.muli %mul3A_370, %select_n3A_346 : vector<24x24xi32>
      %add3A_372 = arith.addi %mul3A_371, %select_n3A_368 : vector<24x24xi32>
      %iota3A_373 = tpu.iota {dimensions = array<i32: 0>} : vector<24x24x16x24xi32>
      %iota3A_374 = tpu.iota {dimensions = array<i32: 2>} : vector<24x24x16x24xi32>
      %mul3A_375 = arith.constant 9216 : i32
      %mul3A_376 = vector.broadcast %mul3A_375 : i32 to vector<24x24x16x24xi32>
      %mul3A_377 = arith.muli %mul3A_376, %iota3A_373 : vector<24x24x16x24xi32>
      %mul3A_378 = arith.constant 24 : i32
      %mul3A_379 = vector.broadcast %mul3A_378 : i32 to vector<24x24x16x24xi32>
      %mul3A_380 = arith.muli %mul3A_379, %iota3A_374 : vector<24x24x16x24xi32>
      %add3A_381 = arith.addi %mul3A_377, %mul3A_380 : vector<24x24x16x24xi32>
      %broadcast_in_dim3A_382 = vector.shape_cast %add3A_372 : vector<24x24xi32> to vector<1x24x1x24xi32>
      %add3A_383 = vector.broadcast %broadcast_in_dim3A_382 : vector<1x24x1x24xi32> to vector<24x24x16x24xi32>
      %add3A_384 = arith.addi %add3A_381, %add3A_383 : vector<24x24x16x24xi32>
      %swap3A_385 = arith.constant 0 : index
      %swap3A_386 = arith.constant 0 : index
      %swap3A_387 = arith.constant 0 : index
      %swap3A_388 = arith.constant 0 : index
      %swap3A_389 = vector.load %arg3[%swap3A_385, %swap3A_386, %swap3A_387, %swap3A_388] : memref<24x24x16x24xi32, #tpu.memory_space<vmem>>, vector<24x24x16x24xi32>
      tpu.vector_store %arg3[%swap3A_385, %swap3A_386, %swap3A_387, %swap3A_388], %add3A_384 {strides = array<i32>} : memref<24x24x16x24xi32, #tpu.memory_space<vmem>>, vector<24x24x16x24xi32>,
    } else {
    }
    return
  }
  func.func @transform_0(%arg0: i32) -> (i32, i32, i32) {
    %c0_i32 = arith.constant 0 : i32
    %c0_i32_0 = arith.constant 0 : i32
    %c0_i32_1 = arith.constant 0 : i32
    return %c0_i32, %arg0, %c0_i32_0 : i32, i32, i32
  }
  func.func @transform_1(%arg0: i32) -> (i32, i32, i32) {
    %c0_i32 = arith.constant 0 : i32
    %c0_i32_0 = arith.constant 0 : i32
    %c0_i32_1 = arith.constant 0 : i32
    return %c0_i32, %arg0, %c0_i32_0 : i32, i32, i32
  }
  func.func @transform_2(%arg0: i32) -> (i32, i32, i32, i32) {
    %c0_i32 = arith.constant 0 : i32
    %c0_i32_0 = arith.constant 0 : i32
    %c0_i32_1 = arith.constant 0 : i32
    %c0_i32_2 = arith.constant 0 : i32
    %c0_i32_3 = arith.constant 0 : i32
    return %c0_i32, %c0_i32_0, %c0_i32_1, %c0_i32_2 : i32, i32, i32, i32
  }
}

</mosaic_0001>

<sc_bundles>
// kernel: kernel.5.cloned.1.call-start
scs
__scs_entry_jumppad:
0x0: {  	(pc) =	sbr.rel $0x88, $3  }
0x1: {  	(tag) =	ssettag $0x0;
	lr =	simm.s32 $0x1  }
0x2: {  	[smem:$0x3F9F] =	sst lr;
	_ =	strace $0xD0000000  }
0x3: {  	_ = 	snop  }
0x4: {  	_ = 	snop  }
0x5: {  	_ = 	snop  }
0x6: {  	_ = 	snop  }
0x7: {  	_ = 	snop  }
__scs_overlays_trampoline_lowered:
0x8: {  	[smem:$0x3FAE] =	sst s0  }
0x9: {  	[smem:$0x3FAF] =	sst s1  }
0xa: {  	[smem:$0x3FB0] =	sst s2  }
0xb: {  	[smem:$0x3FB1] =	sst s3  }
0xc: {  	[smem:$0x3FB2] =	sst s4  }
0xd: {  	[smem:$0x3FB3] =	sst s5  }
0xe: {  	[smem:$0x3FB4] =	sst s6  }
0xf: {  	[smem:$0x3FB5] =	sst s7  }
0x10: {  	[smem:$0x3FB6] =	sst s8  }
0x11: {  	[smem:$0x3FB7] =	sst s9;
	s0 =	simm.s32 @!p0 $0x0  }
0x12: {  	s1 =	sld [smem:$0x3F9D];
	s0 =	simm.s32 @p0 $0x1  }
0x13: {  	[smem:$0x3FB8] =	sst s0;
	s0 =	simm.s32 @!p1 $0x0  }
0x14: {  	s2 =	sld [smem:$0x3F9C];
	s0 =	simm.s32 @p1 $0x1  }
0x15: {  	[smem:$0x3FB9] =	sst s0;
	s0 =	simm.s32 @!p2 $0x0  }
0x16: {  	s3 =	sld [smem:$0x3FDB];
	s0 =	simm.s32 @p2 $0x1  }
0x17: {  	s4 =	simm.s32 $0x1BF5;
	[smem:$0x3FBB] =	sst s0  }
0x18: {  	s0 =	sld [smem:$0x3F9E];
	_ =	swait.ge [sflag:s4], $0x0  }
0x19: {  	s7 =	sld [smem:$0x3F9F]  }
0x1a: {  	s8 =	sadd.s32 $0xFFFFE003, lr  }
0x1b: {  	s9 =	sadd.s32 $0xFFFFFEF7, lr;
	s5 =	simm.s32 $0xFFFFFFFF;
	p2 =	slt.u32 s8, $0xFFFFF086  }
0x1c: {  	p1 =	slt.u32 s9, $0xF7A;
	s5 =	simm.s32 @!p2 $0x0  }
0x1d: {  	s5 =	simm.s32 @p1 $0x1;
	p0 =	seq.s32 s7, s2  }
0x1e: {  	s7 =	smul.u32 @!p0 $0xF7A, s2;
	p2 =	seq.s32 @!p0 s5, $0x0  }
0x1f: {  	s9 =	smul.u32 $0xF7A, s1;
	s8 =	simm.s32 @!p0 $0x1BF5;
	p2 =	por !p2, p0  }
0x20: {  	[sflag:s8] =	ssyncset.s32 @!p0 $0xFFFFF086;
	s6 =	sadd.s32 @!p0 s3, s7;
	s7 =	simm.s32 @!p0 $0x108  }
0x21: {  	s3 =	sadd.s32 s3, s9;
	s6 =	sadd.s32 @!p0 $0x88, s6;
	s7 =	simm.s32 @p2 $0x1082  }
0x22: {  	[simem:s7], [sflag:s8] =	dma.local @!p0 [hbm:s6], $0xF7A  }
0x23: {  	s9 =	sor.u32 $0xD0000000, s2;
	s6 =	simm.s32 $0x108;
	_ =	swait.ge @!p0 [sflag:s8], $0x0  }
0x24: {  	s3 =	sadd.s32 $0x88, s3;
	s6 =	simm.s32 @!p1 $0x1082;
	[sflag:s4] =	ssyncset.s32 $0xFFFFF086  }
0x25: {  	[simem:s6], [sflag:s4] =	dma.local [hbm:s3], $0xF7A  }
0x26: {  	[smem:$0x3F9F] =	sst s1;
	(tag) =	ssettag s2;
	_ =	strace s9  }
0x27: {  	s1 =	sld [smem:$0x3FAF]  }
0x28: {  	s2 =	sld [smem:$0x3FB0]  }
0x29: {  	s4 =	sld [smem:$0x3FB2]  }
0x2a: {  	p0 =	seq.s32 s5, $0x0;
	s5 =	sld [smem:$0x3FB3]  }
0x2b: {  	s6 =	sld [smem:$0x3FB4]  }
0x2c: {  	s7 =	sld [smem:$0x3FB5]  }
0x2d: {  	s3 =	simm.s32 $0x108;
	s8 =	sld [smem:$0x3FB6]  }
0x2e: {  	s3 =	simm.s32 @!p0 $0x1082;
	s9 =	sld [smem:$0x3FB7]  }
0x2f: {  	lr =	sadd.s32 s0, s3;
	s0 =	sld [smem:$0x3FAE]  }
0x30: {  	s3 =	sld [smem:$0x3FB1]  }
0x31: {  	[smem:$0x3FBA] =	sst s10  }
0x32: {  	s10 =	sld [smem:$0x3FB8];
	_ =	sdelay $0x3  }
0x33: {  	p0 =	seq.s32 s10, $0x1;
	s10 =	sld [smem:$0x3FBA];
	_ =	sdelay $0x3  }
0x34: {  	[smem:$0x3FBA] =	sst s10  }
0x35: {  	s10 =	sld [smem:$0x3FB9];
	_ =	sdelay $0x3  }
0x36: {  	p1 =	seq.s32 s10, $0x1;
	s10 =	sld [smem:$0x3FBA];
	_ =	sdelay $0x3  }
0x37: {  	[smem:$0x3FBA] =	sst s10  }
0x38: {  	s10 =	sld [smem:$0x3FBB]  }
0x39: {  	_ = 	snop;
	(pc) =	sbr.ind lr, $3  }
0x3a: {  	_ = 	snop  }
0x3b: {  	_ = 	snop  }
0x3c: {  	p2 =	seq.s32 s10, $0x1;
	s10 =	sld [smem:$0x3FBA]  }
0x3d: {  	_ =	shalt  }
0x3e: {  	_ =	shalt  }
0x3f: {  	_ =	shalt  }
0x40: {  	_ =	shalt  }
0x41: {  	_ =	shalt  }
0x42: {  	_ =	shalt  }
0x43: {  	_ =	shalt  }
0x44: {  	_ =	shalt  }
0x45: {  	_ =	shalt  }
0x46: {  	_ =	shalt  }
0x47: {  	_ =	shalt  }
0x48: {  	_ =	shalt  }
0x49: {  	_ =	shalt  }
0x4a: {  	_ =	shalt  }
0x4b: {  	_ =	shalt  }
0x4c: {  	_ =	shalt  }
0x4d: {  	_ =	shalt  }
0x4e: {  	_ =	shalt  }
0x4f: {  	_ =	shalt  }
0x50: {  	_ =	shalt  }
0x51: {  	_ =	shalt  }
0x52: {  	_ =	shalt  }
0x53: {  	_ =	shalt  }
0x54: {  	_ =	shalt  }
0x55: {  	_ =	shalt  }
0x56: {  	_ =	shalt  }
0x57: {  	_ =	shalt  }
0x58: {  	_ =	shalt  }
0x59: {  	_ =	shalt  }
0x5a: {  	_ =	shalt  }
0x5b: {  	_ =	shalt  }
0x5c: {  	_ =	shalt  }
0x5d: {  	_ =	shalt  }
0x5e: {  	_ =	shalt  }
0x5f: {  	_ =	shalt  }
0x60: {  	_ =	shalt  }
0x61: {  	_ =	shalt  }
0x62: {  	_ =	shalt  }
0x63: {  	_ =	shalt  }
0x64: {  	_ =	shalt  }
0x65: {  	_ =	shalt  }
0x66: {  	_ =	shalt  }
0x67: {  	_ =	shalt  }
0x68: {  	_ =	shalt  }
0x69: {  	_ =	shalt  }
0x6a: {  	_ =	shalt  }
0x6b: {  	_ =	shalt  }
0x6c: {  	_ =	shalt  }
0x6d: {  	_ =	shalt  }
0x6e: {  	_ =	shalt  }
0x6f: {  	_ =	shalt  }
0x70: {  	_ =	shalt  }
0x71: {  	_ =	shalt  }
0x72: {  	_ =	shalt  }
0x73: {  	_ =	shalt  }
0x74: {  	_ =	shalt  }
0x75: {  	_ =	shalt  }
0x76: {  	_ =	shalt  }
0x77: {  	_ =	shalt  }
0x78: {  	_ =	shalt  }
0x79: {  	_ =	shalt  }
0x7a: {  	_ =	shalt  }
0x7b: {  	_ =	shalt  }
0x7c: {  	_ =	shalt  }
0x7d: {  	_ =	shalt  }
0x7e: {  	_ =	shalt  }
0x7f: {  	_ =	shalt  }
0x80: {  	_ =	shalt  }
0x81: {  	_ =	shalt  }
0x82: {  	_ =	shalt  }
0x83: {  	_ =	shalt  }
0x84: {  	_ =	shalt  }
0x85: {  	_ =	shalt  }
0x86: {  	_ =	shalt  }
0x87: {  	_ =	shalt  }
.Lfunc_end0:
.L_simem_size_0:
called_computation_lowered:
.L_overlay_start_0:
0x88: {  	s2 =	sld [smem:$0x3FD9]  }
0x89: {  	s3 =	sld [smem:$0x3FFE];
	_ =	sdelay $0x1  }
0x8a: {  	s1 =	srdreg.scid  }
0x8b: {  	s0 =	sand.u32 $0x1, s1  }
0x8c: {  	s17 =	sshll.u32 s0, $0xA;
	s2 =	sadd.s32 s3, s2  }
0x8d: {  	s2 =	sadd.s32 s2, s17  }
0x8e: {  	[smem:$0x3FC6] =	sst s2  }
0x8f: {  	_ = 	snop  }
0x90: {  	s2 =	sld [smem:$0x3FD0];
	(tm) =	ssettm $0x1  }
0x91: {  	s18 =	sld [smem:$0x3FFB];
	_ =	sdelay $0x3  }
0x92: {  	_ =	strace s18  }
0x93: {  	s3 =	sld [smem:$0x3FFC];
	_ =	sdelay $0x3  }
0x94: {  	_ =	strace s3  }
0x95: {  	s3 =	sld [smem:$0x3FFD];
	_ =	sdelay $0x3  }
0x96: {  	_ =	strace s3  }
0x97: {  	_ =	strace $0x8FFFFFFF  }
0x98: {  	s19 =	sld [smem:$0x3FDB];
	_ =	sdelay $0x1  }
0x99: {  	s4 =	simm.s32 $_scs_section_size  }
0x9a: {  	s5 =	simm.s32 $_size__tile_overlayer_lowered;
	s6 =	simm.s32 $_tile_overlayer_lowered  }
0x9b: {  	s22 =	simm.s32 $0x1BFF;
	s21 =	sshll.u32 s6, $0x1;
	s3 =	sadd.s32 s4, s19  }
0x9c: {  	s7 =	simm.s32 $0x0;
	s20 =	sshll.u32 s5, $0x1;
	s5 =	sadd.s32 s21, s3  }
0x9d: {  	[timem:s7], [sflag:s22] =	dma.local [hbm:s5], s20  }
0x9e: {  	_ =	swait.ge [sflag:s22], s20  }
0x9f: {  	s4 =	ssub.s32 $0x0, s20;
	[sflag:s22] =	ssyncset.done $0x0  }
0xa0: {  	[sflag:s22] =	ssyncadd.s32 s4;
	_ =	sdelay $0x1  }
0xa1: {  	s23 =	simm.s32 $0x1B8B  }
0xa2: {  	_ =	swait.ge [sflag:s23], $0x1  }
0xa3: {  	[sflag:s23] =	ssyncset.done $0x0  }
0xa4: {  	s25 =	simm.s32 $0x1B8E;
	s24 =	sld [smem:$0x3FFE];
	[sflag:s23] =	ssyncadd.s32 $0xFFFFFFFF  }
0xa5: {  	s26 =	simm.s32 $execute0_lowered;
	[smem:$0x3FD2] =	sst s25  }
0xa6: {  	s5 =	sshll.u32 s26, $0x1;
	_ =	strace $0x80000046;
	[dreg:$0x1] =	wrdreg $0xFFFFFFFF  }
0xa7: {  	s28 =	simm.s32 $_size_execute0_lowered;
	s3 =	sadd.s32 s3, s5;
	[dreg:$0x0] =	wrdreg $0x0  }
0xa8: {  	s5 =	sshll.u32 s28, $0x1;
	[dreg:$0x2] =	wrdreg s3  }
0xa9: {  	[dreg:$0x3] =	wrdreg s5  }
0xaa: {  	[dreg:$0x4] =	wrdreg $0xC0  }
0xab: {  	_ =	task [dreg:s7], $0x5FFFF  }
0xac: {  	[dreg:$0x1] =	wrdreg $0xFFFFFFFF  }
0xad: {  	[dreg:$0x0] =	wrdreg $0x60  }
0xae: {  	[dreg:$0x2] =	wrdreg s2  }
0xaf: {  	[dreg:$0x3] =	wrdreg s24  }
0xb0: {  	[dreg:$0x4] =	wrdreg $0x9  }
0xb1: {  	_ =	task.clear_ibuf [dreg:s7], $0x5FFFF;
	_ =	strace $0x90000046  }
0xb2: {  	s29 =	simm.s32 $0x9;
	_ =	strace $0x80000048  }
0xb3: {  	_ =	swait.ge [sflag:s29], $0x1  }
0xb4: {  	[sflag:s29] =	ssyncadd.s32 $0xFFFFFFFF  }
0xb5: {  	_ =	strace $0x90000048  }
0xb6: {  	_ =	sfence  }
0xb7: {  	s30 =	sld [smem:$0x0];
	_ =	sdelay $0x2  }
0xb8: {  	s31 =	sshll.u32 s1, $0xD;
	s1 =	sshrl.u32 s1, $0x2  }
0xb9: {  	s3 =	sand.u32 $0x4000, s31;
	s1 =	sadd.s32 s1, s30  }
0xba: {  	s0 =	sor.u32 s3, s0;
	s1 =	sshll.u32 s1, $0x11  }
0xbb: {  	s0 =	sor.u32 s1, s0  }
0xbc: {  	s0 =	sadd.s32 $0x8F2B, s0  }
0xbd: {  	[sflag:s0] =	ssyncadd.remote.s32 $0x1  }
0xbe: {  	_ =	sfence.sel $0xFFFF  }
0xbf: {  	[dreg:$0x0] =	wrdreg $0xFFFFFFFF;
	(pc) =	sbr.abs _section_cstart, $3  }
0xc0: {  	[dreg:$0x1] =	wrdreg $0xFFFFFFFF  }
0xc1: {  	_ =	task.clear_ibuf [dreg:s7], $0x2FFFF;
	_ =	strace $0x9FFFFFFF  }
0xc2: {  	(tm) =	ssettm $0x7FFFFFFF  }
0xc3: {  	_ =	shalt  }
tec
execute0_lowered:
.L_overlay_start_1:
0x0: {  	(tag) =	ssettag $0x1  }
0x1: {  	s2 =	rddreg [dreg:$0x0];
	s1 =	srdreg.scid  }
0x2: {  	s0 =	stileid.u32;
	s5 =	rddreg [dreg:$0x1];
	s3 =	simm.s32 $0x0  }
0x3: {  	s10 =	simm.s32 $0x1;
	s11 =	simm.s32 $0x2;
	s12 =	simm.s32 $0x1B00  }
0x4: {  	s13 =	simm.s32 $0x0;
	s4 =	sand.u32 $0x1, s1;
	s6 =	sshll.u32 s0, $0x1  }
0x5: {  	s1 =	rddreg [dreg:$0x2];
	s6 =	sor.u32 s4, s6;
	s8 =	ssub.s32 $0x2, s4  }
0x6: {  	[smem:$0x7FF] =	sst s3;
	s7 =	smul.u32 $0x3600, s6;
	s9 =	sshrl.u32 s8, $0x1  }
0x7: {  	_ =	strace $0x80000047;
	s4 =	sadd.s32 $0x1000, s5;
	s8 =	ssub.s32 s8, s9  }
0x8: {  	v0 =	vlaneseq.u32;
	s9 =	simm.s32 $0x80;
	s7 =	sadd.s32 s7, s5;
	s5 =	smul.u32 $0x12, s6  }
0x9: {  	v0 =	vmul.u32 $0x18, v0;
	s8 =	smax.u32 s8, $0x1;
	s6 =	sadd.s32 $0x6D000, s7;
	s7 =	sadd.s32 $0xD9000, s7  }
.LBB2_1:
0xa: {  	s14 =	smul.u32 $0xAAAB, s3;
	_ =	sdelay $0x1  }
0xb: {  	s14 =	sshrl.u32 s14, $0x14  }
0xc: {  	s15 =	smul.u32 $0x18, s14;
	s17 =	sadd.s32 s14, s5  }
0xd: {  	s18 =	sand.u32 $0x70, s3;
	s14 =	simm.s32 $0x1;
	s16 =	smulhi.u32 $0xAAAAAAB, s17  }
0xe: {  	s31 =	sand.u32 $0x7E00, s3;
	s19 =	smul.u32 $0xAAAB, s14;
	s15 =	ssub.s32 $0x0, s15  }
0xf: {  	s22 =	sshrl.u32 s31, $0x2;
	s20 =	smul.u32 $0x18, s16;
	s15 =	sand.u32 $0xFFFF, s15  }
0x10: {  	s21 =	smul.u32 $0x180, s16;
	s24 =	sshrl.u32 s19, $0x14;
	s19 =	simm.s32 $0x2  }
0x11: {  	s16 =	simm.s32 $0x0;
	s23 =	smul.u32 $0x2400, s15;
	s15 =	simm.s32 $0x0  }
.LBB2_2:
0x12: {  	p0 =	sne.s32 s19, $0x1AF  }
0x13: {  	s20 =	ssub.s32 s17, s20;
	s21 =	sadd.s32 s23, s21;
	s23 =	smov.u32 s14  }
0x14: {  	s14 =	smov.u32 s19;
	s25 =	smul.u32 $0x18, s24;
	s17 =	sadd.s32 s24, s5  }
0x15: {  	s18 =	sor.u32 s18, s22;
	s22 =	smul.u32 $0xAAAB, s19;
	s20 =	sor.u32 s20, s21  }
0x16: {  	s21 =	smulhi.u32 $0xAAAAAAB, s17;
	v1 =	vadd.s32 s20, v0  }
.Ltmp0:
0x17: {  	[tilespmem:s18+$0x0] =	vst v1;
	(pc) =	sbr.rel @p0 .LBB2_2-.Ltmp0, $4  }
0x18: {  	s15 =	sadd.s32 $0x10, s15;
	s18 =	ssub.s32 s23, s25;
	s20 =	smul.u32 $0x18, s21  }
0x19: {  	s16 =	sadd.s32 $0x40, s16;
	s21 =	smul.u32 $0x180, s21;
	s18 =	sand.u32 $0xFFFF, s18  }
0x1a: {  	s25 =	sand.u32 $0x7E00, s16;
	s23 =	smul.u32 $0x2400, s18;
	s18 =	sand.u32 $0x70, s15  }
0x1b: {  	s19 =	sadd.s32 $0x1, s19;
	s24 =	sshrl.u32 s22, $0x14;
	s22 =	sshrl.u32 s25, $0x2  }
0x1c: {  	s19 =	smul.u32 $0x18, s24;
	s28 =	sadd.s32 s24, s5  }
0x1d: {  	s25 =	smulhi.u32 $0xAAAAAAB, s28;
	_ =	sdelay $0x1  }
0x1e: {  	s14 =	ssub.s32 s14, s19;
	s29 =	smul.u32 $0x18, s25  }
0x1f: {  	s17 =	ssub.s32 s17, s20;
	s14 =	sand.u32 $0xFFFF, s14;
	s31 =	smul.u32 $0x180, s25  }
0x20: {  	s30 =	sadd.s32 s23, s21;
	s18 =	sor.u32 s18, s22;
	s14 =	smul.u32 $0x2400, s14  }
0x21: {  	s15 =	sadd.s32 $0x10, s15;
	s16 =	sadd.s32 $0x40, s16;
	s17 =	sor.u32 s17, s30  }
0x22: {  	s16 =	sand.u32 $0x7E00, s16;
	s19 =	ssub.s32 s28, s29;
	s14 =	sadd.s32 s14, s31  }
0x23: {  	s15 =	sand.u32 $0x70, s15;
	v1 =	vadd.s32 s17, v0;
	s16 =	sshrl.u32 s16, $0x2;
	s14 =	sor.u32 s19, s14  }
0x24: {  	s17 =	simm.s32 $0x0;
	[tilespmem:s18+$0x0] =	vst v1;
	s15 =	sor.u32 s15, s16;
	v1 =	vadd.s32 s14, v0  }
0x25: {  	s16 =	simm.s32 $0x2300;
	s14 =	simm.s32 $0x1B00;
	[tilespmem:s15+$0x0] =	vst v1;
	s15 =	simm.s32 $0x200  }
.LBB2_4:
0x26: {  	[tilespmem:s14], [sflag:$0x1] =	stream.indirect.gather [hbm4b:s2+s9], $0x10, s17, s9, $0xb8;
	[tilespmem:$0x1CB00] =	vst v63  }
0x27: {  	s17 =	smov.u32 s15;
	s14 =	smov.u32 s16;
	p0 =	sne.s32 s15, $0x6A00  }
.Ltmp1:
0x28: {  	s15 =	sadd.s32 $0x200, s15;
	(pc) =	sbr.rel @p0 .LBB2_4-.Ltmp1, $2  }
0x29: {  	_ =	sdelay $0x2  }
0x2a: {  	s16 =	sadd.s32 $0x800, s16;
	s17 =	sshra.s32 s17, $0x2  }
0x2b: {  	[tilespmem:s14], [sflag:$0x1] =	stream.indirect.gather [hbm4b:s2+s9], $0x10, s17, s9, $0xb8;
	[tilespmem:$0x1CB00] =	vst v63  }
0x2c: {  	_ =	swait.ge [sflag:s10], $0x1B000  }
0x2d: {  	[sflag:s10] =	ssyncset.done $0x0  }
0x2e: {  	s15 =	simm.s32 $0x0;
	s14 =	simm.s32 $0x1B00;
	[sflag:s10] =	ssyncadd.s32 $0xFFFE5000  }
0x2f: {  	[hbm4b:s6+s15] =	stream.linear.scatter [tilespmem:s14], [sflag:$0x2], $0x1B000, $0x38;
	[tilespmem:$0x1CB00] =	vst v63  }
0x30: {  	_ =	swait.ge [sflag:s11], $0x1B000  }
0x31: {  	s17 =	simm.s32 $0x0;
	[sflag:s11] =	ssyncset.done $0x0  }
0x32: {  	s16 =	simm.s32 $0x2300;
	s15 =	simm.s32 $0x200;
	[sflag:s11] =	ssyncadd.s32 $0xFFFE5000  }
.LBB2_6:
0x33: {  	[tilespmem:s14], [sflag:$0x1] =	stream.indirect.gather [hbm4b:s4+s9], $0x10, s17, s9, $0xb8;
	[tilespmem:$0x1CB00] =	vst v63  }
0x34: {  	s17 =	smov.u32 s15;
	s14 =	smov.u32 s16;
	p0 =	sne.s32 s15, $0x6A00  }
.Ltmp2:
0x35: {  	s15 =	sadd.s32 $0x200, s15;
	(pc) =	sbr.rel @p0 .LBB2_6-.Ltmp2, $2  }
0x36: {  	_ =	sdelay $0x2  }
0x37: {  	s16 =	sadd.s32 $0x800, s16;
	s17 =	sshra.s32 s17, $0x2  }
0x38: {  	[tilespmem:s14], [sflag:$0x1] =	stream.indirect.gather [hbm4b:s4+s9], $0x10, s17, s9, $0xb8;
	[tilespmem:$0x1CB00] =	vst v63  }
0x39: {  	s13 =	sadd.s32 $0x1, s13;
	_ =	swait.ge [sflag:s10], $0x1B000  }
0x3a: {  	p0 =	sne.s32 s13, s8;
	[sflag:s10] =	ssyncset.done $0x0  }
.Ltmp3:
0x3b: {  	[sflag:s10] =	ssyncadd.s32 $0xFFFE5000;
	(pc) =	sbr.rel @p0 .LBB2_1-.Ltmp3, $4  }
0x3c: {  	[hbm4b:s7+s3] =	stream.linear.scatter [tilespmem:s12], [sflag:$0x2], $0x1B000, $0x38;
	[tilespmem:$0x1CB00] =	vst v63  }
0x3d: {  	_ =	swait.ge [sflag:s11], $0x1B000  }
0x3e: {  	[sflag:s11] =	ssyncset.done $0x0  }
0x3f: {  	[sflag:s11] =	ssyncadd.s32 $0xFFFE5000  }
0x40: {  	_ =	sfence.sel $0x180000  }
0x41: {  	[bflag:$0x0] =	sbarrier.arrive $0xFFFF  }
0x42: {  	p0 =	sne.s32 s0, $0x0;
	_ =	strace $0x90000047  }
0x43: {  	s0 =	sadd.s32 @!p0 $0x100000, s1;
	[bflag:$0x2] =	sbarrier.arrive $0xFFFF  }
0x44: {  	[sflag:s0] =	ssyncadd.tile.s32 @!p0 $0x1;
	_ =	shalt  }
.Lfunc_end2:
_tile_overlayer_lowered:
.L_overlay_start_2:
0x45: {  	(tag) =	ssettag $0x2  }
0x46: {  	s0 =	rddreg [dreg:$0x0];
	s2 =	stileid.u32  }
0x47: {  	s1 =	rddreg [dreg:$0x1];
	p0 =	sne.s32 s2, $0x0  }
0x48: {  	s3 =	rddreg [dreg:$0x2];
	[bflag:$0x3] =	sbarrier.arrive $0xFFFF;
	s2 =	simm.s32 @!p0 $0x1C02  }
0x49: {  	[timem:s3], [sflag:s2] =	dma.local @!p0 [hbm:s0], s1  }
0x4a: {  	s0 =	simm.s32 @!p0 $0x2  }
0x4b: {  	_ =	swait.ge @!p0 [sflag:s0], s1  }
0x4c: {  	s1 =	ssub.s32 @!p0 $0x0, s1;
	[sflag:s0] =	ssyncset.done @!p0 $0x0  }
0x4d: {  	[sflag:s0] =	ssyncadd.s32 @!p0 s1  }
0x4e: {  	[bflag:$0x3] =	sbarrier.arrive $0xFFFF  }
0x4f: {  	_ =	shalt  }

// kernel: kernel.8.cloned.1.call-start
scs
__scs_entry_jumppad:
0x0: {  	(pc) =	sbr.rel $0x88, $3  }
0x1: {  	(tag) =	ssettag $0x0;
	lr =	simm.s32 $0x1  }
0x2: {  	[smem:$0x3F9F] =	sst lr;
	_ =	strace $0xD0000000  }
0x3: {  	_ = 	snop  }
0x4: {  	_ = 	snop  }
0x5: {  	_ = 	snop  }
0x6: {  	_ = 	snop  }
0x7: {  	_ = 	snop  }
__scs_overlays_trampoline_lowered:
0x8: {  	[smem:$0x3FAE] =	sst s0  }
0x9: {  	[smem:$0x3FAF] =	sst s1  }
0xa: {  	[smem:$0x3FB0] =	sst s2  }
0xb: {  	[smem:$0x3FB1] =	sst s3  }
0xc: {  	[smem:$0x3FB2] =	sst s4  }
0xd: {  	[smem:$0x3FB3] =	sst s5  }
0xe: {  	[smem:$0x3FB4] =	sst s6  }
0xf: {  	[smem:$0x3FB5] =	sst s7  }
0x10: {  	[smem:$0x3FB6] =	sst s8  }
0x11: {  	[smem:$0x3FB7] =	sst s9;
	s0 =	simm.s32 @!p0 $0x0  }
0x12: {  	s1 =	sld [smem:$0x3F9D];
	s0 =	simm.s32 @p0 $0x1  }
0x13: {  	[smem:$0x3FB8] =	sst s0;
	s0 =	simm.s32 @!p1 $0x0  }
0x14: {  	s2 =	sld [smem:$0x3F9C];
	s0 =	simm.s32 @p1 $0x1  }
0x15: {  	[smem:$0x3FB9] =	sst s0;
	s0 =	simm.s32 @!p2 $0x0  }
0x16: {  	s3 =	sld [smem:$0x3FDB];
	s0 =	simm.s32 @p2 $0x1  }
0x17: {  	s4 =	simm.s32 $0x1BF5;
	[smem:$0x3FBB] =	sst s0  }
0x18: {  	s0 =	sld [smem:$0x3F9E];
	_ =	swait.ge [sflag:s4], $0x0  }
0x19: {  	s7 =	sld [smem:$0x3F9F]  }
0x1a: {  	s8 =	sadd.s32 $0xFFFFE003, lr  }
0x1b: {  	s9 =	sadd.s32 $0xFFFFFEF7, lr;
	s5 =	simm.s32 $0xFFFFFFFF;
	p2 =	slt.u32 s8, $0xFFFFF086  }
0x1c: {  	p1 =	slt.u32 s9, $0xF7A;
	s5 =	simm.s32 @!p2 $0x0  }
0x1d: {  	s5 =	simm.s32 @p1 $0x1;
	p0 =	seq.s32 s7, s2  }
0x1e: {  	s7 =	smul.u32 @!p0 $0xF7A, s2;
	p2 =	seq.s32 @!p0 s5, $0x0  }
0x1f: {  	s9 =	smul.u32 $0xF7A, s1;
	s8 =	simm.s32 @!p0 $0x1BF5;
	p2 =	por !p2, p0  }
0x20: {  	[sflag:s8] =	ssyncset.s32 @!p0 $0xFFFFF086;
	s6 =	sadd.s32 @!p0 s3, s7;
	s7 =	simm.s32 @!p0 $0x108  }
0x21: {  	s3 =	sadd.s32 s3, s9;
	s6 =	sadd.s32 @!p0 $0x88, s6;
	s7 =	simm.s32 @p2 $0x1082  }
0x22: {  	[simem:s7], [sflag:s8] =	dma.local @!p0 [hbm:s6], $0xF7A  }
0x23: {  	s9 =	sor.u32 $0xD0000000, s2;
	s6 =	simm.s32 $0x108;
	_ =	swait.ge @!p0 [sflag:s8], $0x0  }
0x24: {  	s3 =	sadd.s32 $0x88, s3;
	s6 =	simm.s32 @!p1 $0x1082;
	[sflag:s4] =	ssyncset.s32 $0xFFFFF086  }
0x25: {  	[simem:s6], [sflag:s4] =	dma.local [hbm:s3], $0xF7A  }
0x26: {  	[smem:$0x3F9F] =	sst s1;
	(tag) =	ssettag s2;
	_ =	strace s9  }
0x27: {  	s1 =	sld [smem:$0x3FAF]  }
0x28: {  	s2 =	sld [smem:$0x3FB0]  }
0x29: {  	s4 =	sld [smem:$0x3FB2]  }
0x2a: {  	p0 =	seq.s32 s5, $0x0;
	s5 =	sld [smem:$0x3FB3]  }
0x2b: {  	s6 =	sld [smem:$0x3FB4]  }
0x2c: {  	s7 =	sld [smem:$0x3FB5]  }
0x2d: {  	s3 =	simm.s32 $0x108;
	s8 =	sld [smem:$0x3FB6]  }
0x2e: {  	s3 =	simm.s32 @!p0 $0x1082;
	s9 =	sld [smem:$0x3FB7]  }
0x2f: {  	lr =	sadd.s32 s0, s3;
	s0 =	sld [smem:$0x3FAE]  }
0x30: {  	s3 =	sld [smem:$0x3FB1]  }
0x31: {  	[smem:$0x3FBA] =	sst s10  }
0x32: {  	s10 =	sld [smem:$0x3FB8];
	_ =	sdelay $0x3  }
0x33: {  	p0 =	seq.s32 s10, $0x1;
	s10 =	sld [smem:$0x3FBA];
	_ =	sdelay $0x3  }
0x34: {  	[smem:$0x3FBA] =	sst s10  }
0x35: {  	s10 =	sld [smem:$0x3FB9];
	_ =	sdelay $0x3  }
0x36: {  	p1 =	seq.s32 s10, $0x1;
	s10 =	sld [smem:$0x3FBA];
	_ =	sdelay $0x3  }
0x37: {  	[smem:$0x3FBA] =	sst s10  }
0x38: {  	s10 =	sld [smem:$0x3FBB]  }
0x39: {  	_ = 	snop;
	(pc) =	sbr.ind lr, $3  }
0x3a: {  	_ = 	snop  }
0x3b: {  	_ = 	snop  }
0x3c: {  	p2 =	seq.s32 s10, $0x1;
	s10 =	sld [smem:$0x3FBA]  }
0x3d: {  	_ =	shalt  }
0x3e: {  	_ =	shalt  }
0x3f: {  	_ =	shalt  }
0x40: {  	_ =	shalt  }
0x41: {  	_ =	shalt  }
0x42: {  	_ =	shalt  }
0x43: {  	_ =	shalt  }
0x44: {  	_ =	shalt  }
0x45: {  	_ =	shalt  }
0x46: {  	_ =	shalt  }
0x47: {  	_ =	shalt  }
0x48: {  	_ =	shalt  }
0x49: {  	_ =	shalt  }
0x4a: {  	_ =	shalt  }
0x4b: {  	_ =	shalt  }
0x4c: {  	_ =	shalt  }
0x4d: {  	_ =	shalt  }
0x4e: {  	_ =	shalt  }
0x4f: {  	_ =	shalt  }
0x50: {  	_ =	shalt  }
0x51: {  	_ =	shalt  }
0x52: {  	_ =	shalt  }
0x53: {  	_ =	shalt  }
0x54: {  	_ =	shalt  }
0x55: {  	_ =	shalt  }
0x56: {  	_ =	shalt  }
0x57: {  	_ =	shalt  }
0x58: {  	_ =	shalt  }
0x59: {  	_ =	shalt  }
0x5a: {  	_ =	shalt  }
0x5b: {  	_ =	shalt  }
0x5c: {  	_ =	shalt  }
0x5d: {  	_ =	shalt  }
0x5e: {  	_ =	shalt  }
0x5f: {  	_ =	shalt  }
0x60: {  	_ =	shalt  }
0x61: {  	_ =	shalt  }
0x62: {  	_ =	shalt  }
0x63: {  	_ =	shalt  }
0x64: {  	_ =	shalt  }
0x65: {  	_ =	shalt  }
0x66: {  	_ =	shalt  }
0x67: {  	_ =	shalt  }
0x68: {  	_ =	shalt  }
0x69: {  	_ =	shalt  }
0x6a: {  	_ =	shalt  }
0x6b: {  	_ =	shalt  }
0x6c: {  	_ =	shalt  }
0x6d: {  	_ =	shalt  }
0x6e: {  	_ =	shalt  }
0x6f: {  	_ =	shalt  }
0x70: {  	_ =	shalt  }
0x71: {  	_ =	shalt  }
0x72: {  	_ =	shalt  }
0x73: {  	_ =	shalt  }
0x74: {  	_ =	shalt  }
0x75: {  	_ =	shalt  }
0x76: {  	_ =	shalt  }
0x77: {  	_ =	shalt  }
0x78: {  	_ =	shalt  }
0x79: {  	_ =	shalt  }
0x7a: {  	_ =	shalt  }
0x7b: {  	_ =	shalt  }
0x7c: {  	_ =	shalt  }
0x7d: {  	_ =	shalt  }
0x7e: {  	_ =	shalt  }
0x7f: {  	_ =	shalt  }
0x80: {  	_ =	shalt  }
0x81: {  	_ =	shalt  }
0x82: {  	_ =	shalt  }
0x83: {  	_ =	shalt  }
0x84: {  	_ =	shalt  }
0x85: {  	_ =	shalt  }
0x86: {  	_ =	shalt  }
0x87: {  	_ =	shalt  }
.Lfunc_end0:
.L_simem_size_0:
called_computation.1_lowered:
.L_overlay_start_0:
0x88: {  	s2 =	sld [smem:$0x3FD9]  }
0x89: {  	s3 =	sld [smem:$0x3FFE];
	_ =	sdelay $0x1  }
0x8a: {  	s1 =	srdreg.scid  }
0x8b: {  	s0 =	sand.u32 $0x1, s1  }
0x8c: {  	s17 =	sshll.u32 s0, $0xA;
	s2 =	sadd.s32 s3, s2  }
0x8d: {  	s2 =	sadd.s32 s2, s17  }
0x8e: {  	[smem:$0x3FC6] =	sst s2  }
0x8f: {  	_ = 	snop  }
0x90: {  	s2 =	sld [smem:$0x3FD0];
	(tm) =	ssettm $0x1  }
0x91: {  	s18 =	sld [smem:$0x3FFB];
	_ =	sdelay $0x3  }
0x92: {  	_ =	strace s18  }
0x93: {  	s3 =	sld [smem:$0x3FFC];
	_ =	sdelay $0x3  }
0x94: {  	_ =	strace s3  }
0x95: {  	s3 =	sld [smem:$0x3FFD];
	_ =	sdelay $0x3  }
0x96: {  	_ =	strace s3  }
0x97: {  	_ =	strace $0x8FFFFFFF  }
0x98: {  	s19 =	sld [smem:$0x3FDB];
	_ =	sdelay $0x1  }
0x99: {  	s4 =	simm.s32 $_scs_section_size  }
0x9a: {  	s5 =	simm.s32 $_size__tile_overlayer_lowered;
	s6 =	simm.s32 $_tile_overlayer_lowered  }
0x9b: {  	s22 =	simm.s32 $0x1BFF;
	s21 =	sshll.u32 s6, $0x1;
	s3 =	sadd.s32 s4, s19  }
0x9c: {  	s7 =	simm.s32 $0x0;
	s20 =	sshll.u32 s5, $0x1;
	s5 =	sadd.s32 s21, s3  }
0x9d: {  	[timem:s7], [sflag:s22] =	dma.local [hbm:s5], s20  }
0x9e: {  	_ =	swait.ge [sflag:s22], s20  }
0x9f: {  	s4 =	ssub.s32 $0x0, s20;
	[sflag:s22] =	ssyncset.done $0x0  }
0xa0: {  	[sflag:s22] =	ssyncadd.s32 s4;
	_ =	sdelay $0x1  }
0xa1: {  	s23 =	simm.s32 $0x1B8B  }
0xa2: {  	_ =	swait.ge [sflag:s23], $0x1  }
0xa3: {  	[sflag:s23] =	ssyncset.done $0x0  }
0xa4: {  	s25 =	simm.s32 $0x1B8E;
	s24 =	sld [smem:$0x3FFE];
	[sflag:s23] =	ssyncadd.s32 $0xFFFFFFFF  }
0xa5: {  	s26 =	simm.s32 $execute0_lowered;
	[smem:$0x3FD2] =	sst s25  }
0xa6: {  	s5 =	sshll.u32 s26, $0x1;
	_ =	strace $0x80000049;
	[dreg:$0x1] =	wrdreg $0xFFFFFFFF  }
0xa7: {  	s28 =	simm.s32 $_size_execute0_lowered;
	s3 =	sadd.s32 s3, s5;
	[dreg:$0x0] =	wrdreg $0x0  }
0xa8: {  	s5 =	sshll.u32 s28, $0x1;
	[dreg:$0x2] =	wrdreg s3  }
0xa9: {  	[dreg:$0x3] =	wrdreg s5  }
0xaa: {  	[dreg:$0x4] =	wrdreg $0xC0  }
0xab: {  	_ =	task [dreg:s7], $0x5FFFF  }
0xac: {  	[dreg:$0x1] =	wrdreg $0xFFFFFFFF  }
0xad: {  	[dreg:$0x0] =	wrdreg $0x60  }
0xae: {  	[dreg:$0x2] =	wrdreg s2  }
0xaf: {  	[dreg:$0x3] =	wrdreg s24  }
0xb0: {  	[dreg:$0x4] =	wrdreg $0x9  }
0xb1: {  	_ =	task.clear_ibuf [dreg:s7], $0x5FFFF;
	_ =	strace $0x90000049  }
0xb2: {  	s29 =	simm.s32 $0x9;
	_ =	strace $0x8000004B  }
0xb3: {  	_ =	swait.ge [sflag:s29], $0x1  }
0xb4: {  	[sflag:s29] =	ssyncadd.s32 $0xFFFFFFFF  }
0xb5: {  	_ =	strace $0x9000004B  }
0xb6: {  	_ =	sfence  }
0xb7: {  	s30 =	sld [smem:$0x0];
	_ =	sdelay $0x2  }
0xb8: {  	s31 =	sshll.u32 s1, $0xD;
	s1 =	sshrl.u32 s1, $0x2  }
0xb9: {  	s3 =	sand.u32 $0x4000, s31;
	s1 =	sadd.s32 s1, s30  }
0xba: {  	s0 =	sor.u32 s3, s0;
	s1 =	sshll.u32 s1, $0x11  }
0xbb: {  	s0 =	sor.u32 s1, s0  }
0xbc: {  	s0 =	sadd.s32 $0x8F2B, s0  }
0xbd: {  	[sflag:s0] =	ssyncadd.remote.s32 $0x1  }
0xbe: {  	_ =	sfence.sel $0xFFFF  }
0xbf: {  	[dreg:$0x0] =	wrdreg $0xFFFFFFFF;
	(pc) =	sbr.abs _section_cstart, $3  }
0xc0: {  	[dreg:$0x1] =	wrdreg $0xFFFFFFFF  }
0xc1: {  	_ =	task.clear_ibuf [dreg:s7], $0x2FFFF;
	_ =	strace $0x9FFFFFFF  }
0xc2: {  	(tm) =	ssettm $0x7FFFFFFF  }
0xc3: {  	_ =	shalt  }
tec
execute0_lowered:
.L_overlay_start_1:
0x0: {  	(tag) =	ssettag $0x1  }
0x1: {  	s1 =	srdreg.scid;
	s2 =	rddreg [dreg:$0x0]  }
0x2: {  	s0 =	stileid.u32;
	s5 =	rddreg [dreg:$0x1];
	s3 =	simm.s32 $0x0  }
0x3: {  	s8 =	simm.s32 $0x80;
	s4 =	sand.u32 $0x1, s1;
	s30 =	sshll.u32 s0, $0x1  }
0x4: {  	s9 =	simm.s32 $0x1;
	s10 =	simm.s32 $0x1B00;
	s6 =	sor.u32 s4, s30  }
0x5: {  	s11 =	simm.s32 $0x0;
	s1 =	rddreg [dreg:$0x2];
	s7 =	smul.u32 $0x360, s6  }
0x6: {  	[smem:$0x7FF] =	sst s3;
	s4 =	ssub.s32 $0x2, s4;
	s6 =	smul.u32 $0x3600, s6  }
0x7: {  	_ =	strace $0x8000004A;
	s31 =	sshrl.u32 s4, $0x1;
	s7 =	sadd.s32 s7, s5  }
0x8: {  	s5 =	sadd.s32 s6, s5;
	s6 =	ssub.s32 s4, s31;
	s4 =	sadd.s32 $0x1000, s7  }
0x9: {  	s5 =	sadd.s32 $0x7C00, s5;
	s6 =	smax.u32 s6, $0x1;
	s7 =	simm.s32 $0x2  }
.LBB2_1:
0xa: {  	[tilespmem:s3], [sflag:$0x2] =	stream.linear.gather [hbm4b:s4+s3], $0x1B00, $0x38;
	[tilespmem:$0x1CB00] =	vst v63  }
0xb: {  	_ =	swait.ge [sflag:s7], $0x1B00  }
0xc: {  	s12 =	simm.s32 $0x200;
	s15 =	simm.s32 $0x0;
	[sflag:s7] =	ssyncset.done $0x0  }
0xd: {  	s13 =	simm.s32 $0x2300;
	s14 =	simm.s32 $0x1B00;
	[sflag:s7] =	ssyncadd.s32 $0xFFFFE500  }
.LBB2_2:
0xe: {  	[tilespmem:s14], [sflag:$0x1] =	stream.indirect.gather [hbm4b:s2+s8], $0x10, s15, s8, $0xb8;
	[tilespmem:$0x1CB00] =	vst v63  }
0xf: {  	s15 =	smov.u32 s12;
	s14 =	smov.u32 s13;
	p0 =	sne.s32 s12, $0x6A00  }
.Ltmp0:
0x10: {  	s12 =	sadd.s32 $0x200, s12;
	(pc) =	sbr.rel @p0 .LBB2_2-.Ltmp0, $2  }
0x11: {  	_ =	sdelay $0x2  }
0x12: {  	s13 =	sadd.s32 $0x800, s13;
	s15 =	sshra.s32 s15, $0x2  }
0x13: {  	[tilespmem:s14], [sflag:$0x1] =	stream.indirect.gather [hbm4b:s2+s8], $0x10, s15, s8, $0xb8;
	[tilespmem:$0x1CB00] =	vst v63  }
0x14: {  	s11 =	sadd.s32 $0x1, s11;
	_ =	swait.ge [sflag:s9], $0x1B000  }
0x15: {  	p0 =	sne.s32 s11, s6;
	[sflag:s9] =	ssyncset.done $0x0  }
.Ltmp1:
0x16: {  	[sflag:s9] =	ssyncadd.s32 $0xFFFE5000;
	(pc) =	sbr.rel @p0 .LBB2_1-.Ltmp1, $4  }
0x17: {  	[hbm4b:s5+s3] =	stream.linear.scatter [tilespmem:s10], [sflag:$0x2], $0x1B000, $0x38;
	[tilespmem:$0x1CB00] =	vst v63  }
0x18: {  	_ =	swait.ge [sflag:s7], $0x1B000  }
0x19: {  	[sflag:s7] =	ssyncset.done $0x0  }
0x1a: {  	[sflag:s7] =	ssyncadd.s32 $0xFFFE5000  }
0x1b: {  	_ =	sfence.sel $0x180000  }
0x1c: {  	[bflag:$0x0] =	sbarrier.arrive $0xFFFF  }
0x1d: {  	p0 =	sne.s32 s0, $0x0;
	_ =	strace $0x9000004A  }
0x1e: {  	s0 =	sadd.s32 @!p0 $0x100000, s1;
	[bflag:$0x2] =	sbarrier.arrive $0xFFFF  }
0x1f: {  	[sflag:s0] =	ssyncadd.tile.s32 @!p0 $0x1;
	_ =	shalt  }
.Lfunc_end2:
_tile_overlayer_lowered:
.L_overlay_start_2:
0x20: {  	(tag) =	ssettag $0x2  }
0x21: {  	s0 =	rddreg [dreg:$0x0];
	s2 =	stileid.u32  }
0x22: {  	s1 =	rddreg [dreg:$0x1];
	p0 =	sne.s32 s2, $0x0  }
0x23: {  	s3 =	rddreg [dreg:$0x2];
	[bflag:$0x3] =	sbarrier.arrive $0xFFFF;
	s2 =	simm.s32 @!p0 $0x1C02  }
0x24: {  	[timem:s3], [sflag:s2] =	dma.local @!p0 [hbm:s0], s1  }
0x25: {  	s0 =	simm.s32 @!p0 $0x2  }
0x26: {  	_ =	swait.ge @!p0 [sflag:s0], s1  }
0x27: {  	s1 =	ssub.s32 @!p0 $0x0, s1;
	[sflag:s0] =	ssyncset.done @!p0 $0x0  }
0x28: {  	[sflag:s0] =	ssyncadd.s32 @!p0 s1  }
0x29: {  	[bflag:$0x3] =	sbarrier.arrive $0xFFFF  }
0x2a: {  	_ =	shalt  }

</sc_bundles>
